<compile_context>
chip_gen: v7x
topology: tpu7x:2x2x1
jax: 0.10.2.dev20260603
libtpu: 0.0.44.dev20260713+nightly
codegen_flags: <defaults>
</compile_context>

<pallas_src>
import jax
import jax.numpy as jnp
from jax import lax
from jax.experimental import pallas as pl
from jax.experimental.pallas import tpu as pltpu
from jax.experimental.pallas import tpu_sc as plsc

VOCAB_SIZE = 1000000
EMBEDDING_DIM = 32
BATCH = 16384
SEQ_LEN = 50

_NC = 2
_NS = 16
_NW = _NC * _NS

_BPT = BATCH // _NW
_NBUF = 4
_NT = 2
_LANES = 16


def _body(table_hbm, idxT_hbm, out_hbm, idx_v, rows_v, gsems, osems):
    wid = lax.axis_index("s") * _NC + lax.axis_index("c")
    b0 = wid * _BPT

    def gather(slot, s):
        return pltpu.make_async_copy(table_hbm.at[idx_v.at[s]],
                                     rows_v.at[slot], gsems.at[slot])

    def outcopy(slot, s):
        return pltpu.make_async_copy(rows_v.at[slot],
                                     out_hbm.at[s, pl.ds(b0, _BPT), :],
                                     osems.at[slot])

    pltpu.sync_copy(idxT_hbm.at[:, pl.ds(b0, _BPT)], idx_v)

    for s in range(_NBUF):
        gather(s, s).start()

    def group(g, carry):
        for k in range(_NBUF):
            s = g * _NBUF + k

            @pl.when(s < SEQ_LEN)
            def _():
                gather(k, s).wait()
                outcopy(k, s).start()

                @pl.when(s + _NBUF < SEQ_LEN)
                def _():
                    outcopy(k, s).wait()
                    gather(k, s + _NBUF).start()

        return carry

    lax.fori_loop(0, (SEQ_LEN + _NBUF - 1) // _NBUF, group, 0)

    for k in range(_NBUF):
        outcopy(k, SEQ_LEN - _NBUF + k).wait()


@jax.jit
def _embedding_gather(idxT, table):
    mesh = plsc.VectorSubcoreMesh(core_axis_name="c", subcore_axis_name="s")
    run = pl.kernel(
        _body,
        out_type=jax.ShapeDtypeStruct((SEQ_LEN, BATCH, EMBEDDING_DIM),
                                      jnp.float32),
        mesh=mesh,
        scratch_types=[
            pltpu.VMEM((SEQ_LEN, _BPT), jnp.int32),
            pltpu.VMEM((_NBUF, _BPT, EMBEDDING_DIM), jnp.float32),
            pltpu.SemaphoreType.DMA((_NBUF,)),
            pltpu.SemaphoreType.DMA((_NBUF,)),
        ],
        compiler_params=pltpu.CompilerParams(use_tc_tiling_on_sc=False,
                                             needs_layout_passes=False),
    )
    return run(table, idxT)


def kernel(inputs, shared_weights):
    idxT = inputs.astype(jnp.int32).T
    out3 = _embedding_gather(idxT, shared_weights)
    return out3.transpose(1, 0, 2)

# --- scband reference (transcript-rebuilt; emitter-appended) ---
"""Pipeline reference for scband-word-embedding-shared-weights-46213848105566 (READ-ONLY COPY).

The authoritative reference and input builder live on the scoring server;
editing this copy changes nothing except your own understanding.
"""

import jax, jax.numpy as jnp
import numpy as np

VOCAB_SIZE = 1000000
EMBEDDING_DIM = 32
BATCH = 16384
SEQ_LEN = 50

def setup_inputs(seed: int = 0) -> dict:
    key = jax.random.key(seed)
    k_idx, k_tab = jax.random.split(key)
    inputs = jax.random.randint(k_idx, (BATCH, SEQ_LEN), 0, VOCAB_SIZE, dtype=jnp.int64 if jax.config.read('jax_enable_x64') else jnp.int32)
    shared_weights = jax.random.normal(k_tab, (VOCAB_SIZE, EMBEDDING_DIM), dtype=jnp.float32) * (EMBEDDING_DIM ** -0.5)
    return {"inputs": inputs, "shared_weights": shared_weights}

def reference(inputs, shared_weights):
    # mode == 'embedding': simple table gather (the _bottom path)
    return jnp.take(shared_weights, inputs.astype(jnp.int32), axis=0)

if __name__ == "__main__":
    import jax
    _d = setup_inputs()
    print(jax.jit(kernel)(*tuple(_d.values())))

</pallas_src>

<mosaic_0001>
#map = affine_map<(d0, d1) -> (0, 0)>
#map1 = affine_map<(d0, d1) -> (0, 0, 0)>
module attributes {stable_mosaic.version = 14 : i64} {
  func.func @_body(%arg0: i32, %arg1: i32, %arg2: memref<1000000x32xf32, #tpu.memory_space<hbm>>, %arg3: memref<50x16384xi32, #tpu.memory_space<hbm>>, %arg4: memref<50x16384x32xf32, #tpu.memory_space<hbm>>, %arg5: memref<50x512xi32, #tpu.memory_space<vmem>>, %arg6: memref<4x512x32xf32, #tpu.memory_space<vmem>>, %arg7: memref<4x!tpu.dma_semaphore, #tpu.memory_space<semaphore_mem>>, %arg8: memref<4x!tpu.dma_semaphore, #tpu.memory_space<semaphore_mem>>) attributes {dimension_semantics = [#tpu.dimension_semantics<core_parallel>, #tpu.dimension_semantics<subcore_parallel>], iteration_bounds = array<i64: 2, 16>, scalar_prefetch = 0 : i64, scratch_operands = 4 : i64, tpu.core_type = #tpu.core_type<sc_vector_subcore>, window_params = [{transform_indices = #map}, {transform_indices = #map}, {transform_indices = #map1}]} {
    %mul3A = arith.constant 2 : i32
    %mul3A_0 = arith.muli %arg1, %mul3A : i32
    %add3A = arith.addi %mul3A_0, %arg0 : i32
    %mul3A_1 = arith.constant 512 : i32
    %mul3A_2 = arith.muli %add3A, %mul3A_1 : i32
    "tpu.region"() ({
      %run_scoped3A = tpu.sem_alloc : memref<!tpu.dma_semaphore, #tpu.memory_space<semaphore_mem>>
      %dma_start3A_142 = arith.constant 0 : i32
      %dma_start3A_143 = tpu.memref_slice %arg3[%dma_start3A_142, %mul3A_2] : memref<50x16384xi32, #tpu.memory_space<hbm>> -> memref<50x512xi32, #tpu.memory_space<hbm>>
      %dma_start3A_144 = arith.constant 0 : i32
      %dma_start3A_145 = tpu.memref_slice %arg3[%dma_start3A_144, %mul3A_2] : memref<50x16384xi32, #tpu.memory_space<hbm>> -> memref<50x512xi32, #tpu.memory_space<hbm>>
      tpu.enqueue_dma source(%dma_start3A_145 : memref<50x512xi32, #tpu.memory_space<hbm>>) target(%arg5 : memref<50x512xi32, #tpu.memory_space<vmem>>) target_semaphore(%run_scoped3A : memref<!tpu.dma_semaphore, #tpu.memory_space<semaphore_mem>>)
      %dma_wait3A_146 = arith.constant 0 : i32
      %dma_wait3A_147 = tpu.memref_slice %arg3[%dma_wait3A_146, %mul3A_2] : memref<50x16384xi32, #tpu.memory_space<hbm>> -> memref<50x512xi32, #tpu.memory_space<hbm>>
      %dma_wait3A_148 = arith.constant 0 : i32
      %dma_wait3A_149 = tpu.memref_slice %arg3[%dma_wait3A_148, %mul3A_2] : memref<50x16384xi32, #tpu.memory_space<hbm>> -> memref<50x512xi32, #tpu.memory_space<hbm>>
      tpu.wait_dma2 semaphore(%run_scoped3A : memref<!tpu.dma_semaphore, #tpu.memory_space<semaphore_mem>>) src(%dma_wait3A_149 : memref<50x512xi32, #tpu.memory_space<hbm>>) dst(%arg5 : memref<50x512xi32, #tpu.memory_space<vmem>>)
      tpu.yield
    }) : () -> ()
    %dma_start3A = arith.constant 0 : i32
    %dma_start3A_3 = arith.constant 0 : i32
    %dma_start3A_4 = arith.constant 0 : i32
    %dma_start3A_5 = arith.constant 0 : i32
    %dma_start3A_6 = arith.constant 0 : i32
    %dma_start3A_7 = tpu.memref_slice %arg6[%dma_start3A_3, %dma_start3A_5, %dma_start3A_6] : memref<4x512x32xf32, #tpu.memory_space<vmem>> -> memref<1x512x32xf32, #tpu.memory_space<vmem>>
    %dma_start3A_8 = tpu.memref_squeeze %dma_start3A_7 : memref<1x512x32xf32, #tpu.memory_space<vmem>> -> memref<512x32xf32, #tpu.memory_space<vmem>>
    %dma_start3A_9 = arith.constant 0 : i32
    %dma_start3A_10 = tpu.memref_slice %arg5[%dma_start3A, %dma_start3A_9] : memref<50x512xi32, #tpu.memory_space<vmem>> -> memref<1x512xi32, #tpu.memory_space<vmem>>
    %dma_start3A_11 = tpu.memref_squeeze %dma_start3A_10 : memref<1x512xi32, #tpu.memory_space<vmem>> -> memref<512xi32, #tpu.memory_space<vmem>>
    %dma_start3A_12 = arith.constant 0 : i32
    %dma_start3A_13 = arith.constant 0 : i32
    %dma_start3A_14 = tpu.memref_slice %arg2[%dma_start3A_12, %dma_start3A_13] : memref<1000000x32xf32, #tpu.memory_space<hbm>> -> memref<1000000x32xf32, #tpu.memory_space<hbm>>
    %dma_start3A_15 = tpu.memref_slice %arg7[%dma_start3A_4] : memref<4x!tpu.dma_semaphore, #tpu.memory_space<semaphore_mem>> -> memref<1x!tpu.dma_semaphore, #tpu.memory_space<semaphore_mem>>
    %dma_start3A_16 = tpu.memref_squeeze %dma_start3A_15 : memref<1x!tpu.dma_semaphore, #tpu.memory_space<semaphore_mem>> -> memref<!tpu.dma_semaphore, #tpu.memory_space<semaphore_mem>>
    tpu.enqueue_indirect_dma source(%dma_start3A_14 : memref<1000000x32xf32, #tpu.memory_space<hbm>>) target(%dma_start3A_8 : memref<512x32xf32, #tpu.memory_space<vmem>>) offsets(%dma_start3A_11 : memref<512xi32, #tpu.memory_space<vmem>>) semaphore(%dma_start3A_16 : memref<!tpu.dma_semaphore, #tpu.memory_space<semaphore_mem>>)
    %dma_start3A_17 = arith.constant 1 : i32
    %dma_start3A_18 = arith.constant 1 : i32
    %dma_start3A_19 = arith.constant 1 : i32
    %dma_start3A_20 = arith.constant 0 : i32
    %dma_start3A_21 = arith.constant 0 : i32
    %dma_start3A_22 = tpu.memref_slice %arg6[%dma_start3A_18, %dma_start3A_20, %dma_start3A_21] : memref<4x512x32xf32, #tpu.memory_space<vmem>> -> memref<1x512x32xf32, #tpu.memory_space<vmem>>
    %dma_start3A_23 = tpu.memref_squeeze %dma_start3A_22 : memref<1x512x32xf32, #tpu.memory_space<vmem>> -> memref<512x32xf32, #tpu.memory_space<vmem>>
    %dma_start3A_24 = arith.constant 0 : i32
    %dma_start3A_25 = tpu.memref_slice %arg5[%dma_start3A_17, %dma_start3A_24] : memref<50x512xi32, #tpu.memory_space<vmem>> -> memref<1x512xi32, #tpu.memory_space<vmem>>
    %dma_start3A_26 = tpu.memref_squeeze %dma_start3A_25 : memref<1x512xi32, #tpu.memory_space<vmem>> -> memref<512xi32, #tpu.memory_space<vmem>>
    %dma_start3A_27 = arith.constant 0 : i32
    %dma_start3A_28 = arith.constant 0 : i32
    %dma_start3A_29 = tpu.memref_slice %arg2[%dma_start3A_27, %dma_start3A_28] : memref<1000000x32xf32, #tpu.memory_space<hbm>> -> memref<1000000x32xf32, #tpu.memory_space<hbm>>
    %dma_start3A_30 = tpu.memref_slice %arg7[%dma_start3A_19] : memref<4x!tpu.dma_semaphore, #tpu.memory_space<semaphore_mem>> -> memref<1x!tpu.dma_semaphore, #tpu.memory_space<semaphore_mem>>
    %dma_start3A_31 = tpu.memref_squeeze %dma_start3A_30 : memref<1x!tpu.dma_semaphore, #tpu.memory_space<semaphore_mem>> -> memref<!tpu.dma_semaphore, #tpu.memory_space<semaphore_mem>>
    tpu.enqueue_indirect_dma source(%dma_start3A_29 : memref<1000000x32xf32, #tpu.memory_space<hbm>>) target(%dma_start3A_23 : memref<512x32xf32, #tpu.memory_space<vmem>>) offsets(%dma_start3A_26 : memref<512xi32, #tpu.memory_space<vmem>>) semaphore(%dma_start3A_31 : memref<!tpu.dma_semaphore, #tpu.memory_space<semaphore_mem>>)
    %dma_start3A_32 = arith.constant 2 : i32
    %dma_start3A_33 = arith.constant 2 : i32
    %dma_start3A_34 = arith.constant 2 : i32
    %dma_start3A_35 = arith.constant 0 : i32
    %dma_start3A_36 = arith.constant 0 : i32
    %dma_start3A_37 = tpu.memref_slice %arg6[%dma_start3A_33, %dma_start3A_35, %dma_start3A_36] : memref<4x512x32xf32, #tpu.memory_space<vmem>> -> memref<1x512x32xf32, #tpu.memory_space<vmem>>
    %dma_start3A_38 = tpu.memref_squeeze %dma_start3A_37 : memref<1x512x32xf32, #tpu.memory_space<vmem>> -> memref<512x32xf32, #tpu.memory_space<vmem>>
    %dma_start3A_39 = arith.constant 0 : i32
    %dma_start3A_40 = tpu.memref_slice %arg5[%dma_start3A_32, %dma_start3A_39] : memref<50x512xi32, #tpu.memory_space<vmem>> -> memref<1x512xi32, #tpu.memory_space<vmem>>
    %dma_start3A_41 = tpu.memref_squeeze %dma_start3A_40 : memref<1x512xi32, #tpu.memory_space<vmem>> -> memref<512xi32, #tpu.memory_space<vmem>>
    %dma_start3A_42 = arith.constant 0 : i32
    %dma_start3A_43 = arith.constant 0 : i32
    %dma_start3A_44 = tpu.memref_slice %arg2[%dma_start3A_42, %dma_start3A_43] : memref<1000000x32xf32, #tpu.memory_space<hbm>> -> memref<1000000x32xf32, #tpu.memory_space<hbm>>
    %dma_start3A_45 = tpu.memref_slice %arg7[%dma_start3A_34] : memref<4x!tpu.dma_semaphore, #tpu.memory_space<semaphore_mem>> -> memref<1x!tpu.dma_semaphore, #tpu.memory_space<semaphore_mem>>
    %dma_start3A_46 = tpu.memref_squeeze %dma_start3A_45 : memref<1x!tpu.dma_semaphore, #tpu.memory_space<semaphore_mem>> -> memref<!tpu.dma_semaphore, #tpu.memory_space<semaphore_mem>>
    tpu.enqueue_indirect_dma source(%dma_start3A_44 : memref<1000000x32xf32, #tpu.memory_space<hbm>>) target(%dma_start3A_38 : memref<512x32xf32, #tpu.memory_space<vmem>>) offsets(%dma_start3A_41 : memref<512xi32, #tpu.memory_space<vmem>>) semaphore(%dma_start3A_46 : memref<!tpu.dma_semaphore, #tpu.memory_space<semaphore_mem>>)
    %dma_start3A_47 = arith.constant 3 : i32
    %dma_start3A_48 = arith.constant 3 : i32
    %dma_start3A_49 = arith.constant 3 : i32
    %dma_start3A_50 = arith.constant 0 : i32
    %dma_start3A_51 = arith.constant 0 : i32
    %dma_start3A_52 = tpu.memref_slice %arg6[%dma_start3A_48, %dma_start3A_50, %dma_start3A_51] : memref<4x512x32xf32, #tpu.memory_space<vmem>> -> memref<1x512x32xf32, #tpu.memory_space<vmem>>
    %dma_start3A_53 = tpu.memref_squeeze %dma_start3A_52 : memref<1x512x32xf32, #tpu.memory_space<vmem>> -> memref<512x32xf32, #tpu.memory_space<vmem>>
    %dma_start3A_54 = arith.constant 0 : i32
    %dma_start3A_55 = tpu.memref_slice %arg5[%dma_start3A_47, %dma_start3A_54] : memref<50x512xi32, #tpu.memory_space<vmem>> -> memref<1x512xi32, #tpu.memory_space<vmem>>
    %dma_start3A_56 = tpu.memref_squeeze %dma_start3A_55 : memref<1x512xi32, #tpu.memory_space<vmem>> -> memref<512xi32, #tpu.memory_space<vmem>>
    %dma_start3A_57 = arith.constant 0 : i32
    %dma_start3A_58 = arith.constant 0 : i32
    %dma_start3A_59 = tpu.memref_slice %arg2[%dma_start3A_57, %dma_start3A_58] : memref<1000000x32xf32, #tpu.memory_space<hbm>> -> memref<1000000x32xf32, #tpu.memory_space<hbm>>
    %dma_start3A_60 = tpu.memref_slice %arg7[%dma_start3A_49] : memref<4x!tpu.dma_semaphore, #tpu.memory_space<semaphore_mem>> -> memref<1x!tpu.dma_semaphore, #tpu.memory_space<semaphore_mem>>
    %dma_start3A_61 = tpu.memref_squeeze %dma_start3A_60 : memref<1x!tpu.dma_semaphore, #tpu.memory_space<semaphore_mem>> -> memref<!tpu.dma_semaphore, #tpu.memory_space<semaphore_mem>>
    tpu.enqueue_indirect_dma source(%dma_start3A_59 : memref<1000000x32xf32, #tpu.memory_space<hbm>>) target(%dma_start3A_53 : memref<512x32xf32, #tpu.memory_space<vmem>>) offsets(%dma_start3A_56 : memref<512xi32, #tpu.memory_space<vmem>>) semaphore(%dma_start3A_61 : memref<!tpu.dma_semaphore, #tpu.memory_space<semaphore_mem>>)
    %scan3A = arith.constant 0 : i32
    %scan3A_62 = arith.constant 0 : i32
    %scan3A_63 = arith.constant 13 : i32
    %scan3A_64 = arith.addi %scan3A_62, %scan3A_63 : i32
    %scan3A_65 = arith.constant 1 : i32
    scf.for %scan3A_142 = %scan3A_62 to %scan3A_64 step %scan3A_65  : i32 {
      %mul3A_143 = arith.constant 4 : i32
      %mul3A_144 = arith.muli %scan3A_142, %mul3A_143 : i32
      %add3A_145 = arith.constant 0 : i32
      %add3A_146 = arith.addi %mul3A_144, %add3A_145 : i32
      %lt3A = arith.constant 50 : i32
      %lt3A_147 = arith.cmpi slt, %add3A_146, %lt3A : i32
      %convert_element_type3A = arith.extui %lt3A_147 : i1 to i32
      %cond3A = arith.constant 0 : i32
      %cond3A_148 = arith.cmpi ne, %convert_element_type3A, %cond3A : i32
      scf.if %cond3A_148 {
        %dma_wait3A_176 = arith.constant 0 : i32
        %dma_wait3A_177 = arith.constant 0 : i32
        %dma_wait3A_178 = arith.constant 0 : i32
        %dma_wait3A_179 = arith.constant 0 : i32
        %dma_wait3A_180 = tpu.memref_slice %arg6[%dma_wait3A_176, %dma_wait3A_178, %dma_wait3A_179] : memref<4x512x32xf32, #tpu.memory_space<vmem>> -> memref<1x512x32xf32, #tpu.memory_space<vmem>>
        %dma_wait3A_181 = tpu.memref_squeeze %dma_wait3A_180 : memref<1x512x32xf32, #tpu.memory_space<vmem>> -> memref<512x32xf32, #tpu.memory_space<vmem>>
        %dma_wait3A_182 = arith.constant 0 : i32
        %dma_wait3A_183 = tpu.memref_slice %arg5[%add3A_146, %dma_wait3A_182] : memref<50x512xi32, #tpu.memory_space<vmem>> -> memref<1x512xi32, #tpu.memory_space<vmem>>
        %dma_wait3A_184 = tpu.memref_squeeze %dma_wait3A_183 : memref<1x512xi32, #tpu.memory_space<vmem>> -> memref<512xi32, #tpu.memory_space<vmem>>
        %dma_wait3A_185 = arith.constant 0 : i32
        %dma_wait3A_186 = arith.constant 0 : i32
        %dma_wait3A_187 = tpu.memref_slice %arg2[%dma_wait3A_185, %dma_wait3A_186] : memref<1000000x32xf32, #tpu.memory_space<hbm>> -> memref<1000000x32xf32, #tpu.memory_space<hbm>>
        %dma_wait3A_188 = tpu.memref_slice %arg7[%dma_wait3A_177] : memref<4x!tpu.dma_semaphore, #tpu.memory_space<semaphore_mem>> -> memref<1x!tpu.dma_semaphore, #tpu.memory_space<semaphore_mem>>
        %dma_wait3A_189 = tpu.memref_squeeze %dma_wait3A_188 : memref<1x!tpu.dma_semaphore, #tpu.memory_space<semaphore_mem>> -> memref<!tpu.dma_semaphore, #tpu.memory_space<semaphore_mem>>
        tpu.wait_indirect_dma semaphore(%dma_wait3A_189 : memref<!tpu.dma_semaphore, #tpu.memory_space<semaphore_mem>>) src(%dma_wait3A_187 : memref<1000000x32xf32, #tpu.memory_space<hbm>>) dst(%dma_wait3A_181 : memref<512x32xf32, #tpu.memory_space<vmem>>)
        %dma_start3A_190 = arith.constant 0 : i32
        %dma_start3A_191 = arith.constant 0 : i32
        %dma_start3A_192 = arith.constant 0 : i32
        %dma_start3A_193 = arith.constant 0 : i32
        %dma_start3A_194 = tpu.memref_slice %arg6[%dma_start3A_190, %dma_start3A_192, %dma_start3A_193] : memref<4x512x32xf32, #tpu.memory_space<vmem>> -> memref<1x512x32xf32, #tpu.memory_space<vmem>>
        %dma_start3A_195 = tpu.memref_squeeze %dma_start3A_194 : memref<1x512x32xf32, #tpu.memory_space<vmem>> -> memref<512x32xf32, #tpu.memory_space<vmem>>
        %dma_start3A_196 = arith.constant 0 : i32
        %dma_start3A_197 = tpu.memref_slice %arg4[%add3A_146, %mul3A_2, %dma_start3A_196] : memref<50x16384x32xf32, #tpu.memory_space<hbm>> -> memref<1x512x32xf32, #tpu.memory_space<hbm>>
        %dma_start3A_198 = tpu.memref_squeeze %dma_start3A_197 : memref<1x512x32xf32, #tpu.memory_space<hbm>> -> memref<512x32xf32, #tpu.memory_space<hbm>>
        %dma_start3A_199 = tpu.memref_slice %arg8[%dma_start3A_191] : memref<4x!tpu.dma_semaphore, #tpu.memory_space<semaphore_mem>> -> memref<1x!tpu.dma_semaphore, #tpu.memory_space<semaphore_mem>>
        %dma_start3A_200 = tpu.memref_squeeze %dma_start3A_199 : memref<1x!tpu.dma_semaphore, #tpu.memory_space<semaphore_mem>> -> memref<!tpu.dma_semaphore, #tpu.memory_space<semaphore_mem>>
        %dma_start3A_201 = arith.constant 0 : i32
        %dma_start3A_202 = tpu.memref_slice %arg4[%add3A_146, %mul3A_2, %dma_start3A_201] : memref<50x16384x32xf32, #tpu.memory_space<hbm>> -> memref<1x512x32xf32, #tpu.memory_space<hbm>>
        %dma_start3A_203 = tpu.memref_squeeze %dma_start3A_202 : memref<1x512x32xf32, #tpu.memory_space<hbm>> -> memref<512x32xf32, #tpu.memory_space<hbm>>
        %dma_start3A_204 = arith.constant 0 : i32
        %dma_start3A_205 = arith.constant 0 : i32
        %dma_start3A_206 = tpu.memref_slice %arg6[%dma_start3A_190, %dma_start3A_204, %dma_start3A_205] : memref<4x512x32xf32, #tpu.memory_space<vmem>> -> memref<1x512x32xf32, #tpu.memory_space<vmem>>
        %dma_start3A_207 = tpu.memref_squeeze %dma_start3A_206 : memref<1x512x32xf32, #tpu.memory_space<vmem>> -> memref<512x32xf32, #tpu.memory_space<vmem>>
        tpu.enqueue_dma source(%dma_start3A_207 : memref<512x32xf32, #tpu.memory_space<vmem>>) target(%dma_start3A_203 : memref<512x32xf32, #tpu.memory_space<hbm>>) target_semaphore(%dma_start3A_200 : memref<!tpu.dma_semaphore, #tpu.memory_space<semaphore_mem>>)
        %add3A_208 = arith.constant 4 : i32
        %add3A_209 = arith.addi %add3A_146, %add3A_208 : i32
        %lt3A_210 = arith.constant 50 : i32
        %lt3A_211 = arith.cmpi slt, %add3A_209, %lt3A_210 : i32
        %convert_element_type3A_212 = arith.extui %lt3A_211 : i1 to i32
        %cond3A_213 = arith.constant 0 : i32
        %cond3A_214 = arith.cmpi ne, %convert_element_type3A_212, %cond3A_213 : i32
        scf.if %cond3A_214 {
          %dma_wait3A_215 = arith.constant 0 : i32
          %dma_wait3A_216 = arith.constant 0 : i32
          %dma_wait3A_217 = arith.constant 0 : i32
          %dma_wait3A_218 = arith.constant 0 : i32
          %dma_wait3A_219 = tpu.memref_slice %arg6[%dma_wait3A_215, %dma_wait3A_217, %dma_wait3A_218] : memref<4x512x32xf32, #tpu.memory_space<vmem>> -> memref<1x512x32xf32, #tpu.memory_space<vmem>>
          %dma_wait3A_220 = tpu.memref_squeeze %dma_wait3A_219 : memref<1x512x32xf32, #tpu.memory_space<vmem>> -> memref<512x32xf32, #tpu.memory_space<vmem>>
          %dma_wait3A_221 = arith.constant 0 : i32
          %dma_wait3A_222 = tpu.memref_slice %arg4[%add3A_146, %mul3A_2, %dma_wait3A_221] : memref<50x16384x32xf32, #tpu.memory_space<hbm>> -> memref<1x512x32xf32, #tpu.memory_space<hbm>>
          %dma_wait3A_223 = tpu.memref_squeeze %dma_wait3A_222 : memref<1x512x32xf32, #tpu.memory_space<hbm>> -> memref<512x32xf32, #tpu.memory_space<hbm>>
          %dma_wait3A_224 = tpu.memref_slice %arg8[%dma_wait3A_216] : memref<4x!tpu.dma_semaphore, #tpu.memory_space<semaphore_mem>> -> memref<1x!tpu.dma_semaphore, #tpu.memory_space<semaphore_mem>>
          %dma_wait3A_225 = tpu.memref_squeeze %dma_wait3A_224 : memref<1x!tpu.dma_semaphore, #tpu.memory_space<semaphore_mem>> -> memref<!tpu.dma_semaphore, #tpu.memory_space<semaphore_mem>>
          %dma_wait3A_226 = arith.constant 0 : i32
          %dma_wait3A_227 = tpu.memref_slice %arg4[%add3A_146, %mul3A_2, %dma_wait3A_226] : memref<50x16384x32xf32, #tpu.memory_space<hbm>> -> memref<1x512x32xf32, #tpu.memory_space<hbm>>
          %dma_wait3A_228 = tpu.memref_squeeze %dma_wait3A_227 : memref<1x512x32xf32, #tpu.memory_space<hbm>> -> memref<512x32xf32, #tpu.memory_space<hbm>>
          %dma_wait3A_229 = arith.constant 0 : i32
          %dma_wait3A_230 = arith.constant 0 : i32
          %dma_wait3A_231 = tpu.memref_slice %arg6[%dma_wait3A_215, %dma_wait3A_229, %dma_wait3A_230] : memref<4x512x32xf32, #tpu.memory_space<vmem>> -> memref<1x512x32xf32, #tpu.memory_space<vmem>>
          %dma_wait3A_232 = tpu.memref_squeeze %dma_wait3A_231 : memref<1x512x32xf32, #tpu.memory_space<vmem>> -> memref<512x32xf32, #tpu.memory_space<vmem>>
          tpu.wait_dma2 semaphore(%dma_wait3A_225 : memref<!tpu.dma_semaphore, #tpu.memory_space<semaphore_mem>>) src(%dma_wait3A_232 : memref<512x32xf32, #tpu.memory_space<vmem>>) dst(%dma_wait3A_228 : memref<512x32xf32, #tpu.memory_space<hbm>>)
          %add3A_233 = arith.constant 4 : i32
          %add3A_234 = arith.addi %add3A_146, %add3A_233 : i32
          %dma_start3A_235 = arith.constant 0 : i32
          %dma_start3A_236 = arith.constant 0 : i32
          %dma_start3A_237 = arith.constant 0 : i32
          %dma_start3A_238 = arith.constant 0 : i32
          %dma_start3A_239 = tpu.memref_slice %arg6[%dma_start3A_235, %dma_start3A_237, %dma_start3A_238] : memref<4x512x32xf32, #tpu.memory_space<vmem>> -> memref<1x512x32xf32, #tpu.memory_space<vmem>>
          %dma_start3A_240 = tpu.memref_squeeze %dma_start3A_239 : memref<1x512x32xf32, #tpu.memory_space<vmem>> -> memref<512x32xf32, #tpu.memory_space<vmem>>
          %dma_start3A_241 = arith.constant 0 : i32
          %dma_start3A_242 = tpu.memref_slice %arg5[%add3A_234, %dma_start3A_241] : memref<50x512xi32, #tpu.memory_space<vmem>> -> memref<1x512xi32, #tpu.memory_space<vmem>>
          %dma_start3A_243 = tpu.memref_squeeze %dma_start3A_242 : memref<1x512xi32, #tpu.memory_space<vmem>> -> memref<512xi32, #tpu.memory_space<vmem>>
          %dma_start3A_244 = arith.constant 0 : i32
          %dma_start3A_245 = arith.constant 0 : i32
          %dma_start3A_246 = tpu.memref_slice %arg2[%dma_start3A_244, %dma_start3A_245] : memref<1000000x32xf32, #tpu.memory_space<hbm>> -> memref<1000000x32xf32, #tpu.memory_space<hbm>>
          %dma_start3A_247 = tpu.memref_slice %arg7[%dma_start3A_236] : memref<4x!tpu.dma_semaphore, #tpu.memory_space<semaphore_mem>> -> memref<1x!tpu.dma_semaphore, #tpu.memory_space<semaphore_mem>>
          %dma_start3A_248 = tpu.memref_squeeze %dma_start3A_247 : memref<1x!tpu.dma_semaphore, #tpu.memory_space<semaphore_mem>> -> memref<!tpu.dma_semaphore, #tpu.memory_space<semaphore_mem>>
          tpu.enqueue_indirect_dma source(%dma_start3A_246 : memref<1000000x32xf32, #tpu.memory_space<hbm>>) target(%dma_start3A_240 : memref<512x32xf32, #tpu.memory_space<vmem>>) offsets(%dma_start3A_243 : memref<512xi32, #tpu.memory_space<vmem>>) semaphore(%dma_start3A_248 : memref<!tpu.dma_semaphore, #tpu.memory_space<semaphore_mem>>)
        } else {
        }
      } else {
      }
      %mul3A_149 = arith.constant 4 : i32
      %mul3A_150 = arith.muli %scan3A_142, %mul3A_149 : i32
      %add3A_151 = arith.constant 1 : i32
      %add3A_152 = arith.addi %mul3A_150, %add3A_151 : i32
      %lt3A_153 = arith.constant 50 : i32
      %lt3A_154 = arith.cmpi slt, %add3A_152, %lt3A_153 : i32
      %convert_element_type3A_155 = arith.extui %lt3A_154 : i1 to i32
      %cond3A_156 = arith.constant 0 : i32
      %cond3A_157 = arith.cmpi ne, %convert_element_type3A_155, %cond3A_156 : i32
      scf.if %cond3A_157 {
        %dma_wait3A_176 = arith.constant 1 : i32
        %dma_wait3A_177 = arith.constant 1 : i32
        %dma_wait3A_178 = arith.constant 0 : i32
        %dma_wait3A_179 = arith.constant 0 : i32
        %dma_wait3A_180 = tpu.memref_slice %arg6[%dma_wait3A_176, %dma_wait3A_178, %dma_wait3A_179] : memref<4x512x32xf32, #tpu.memory_space<vmem>> -> memref<1x512x32xf32, #tpu.memory_space<vmem>>
        %dma_wait3A_181 = tpu.memref_squeeze %dma_wait3A_180 : memref<1x512x32xf32, #tpu.memory_space<vmem>> -> memref<512x32xf32, #tpu.memory_space<vmem>>
        %dma_wait3A_182 = arith.constant 0 : i32
        %dma_wait3A_183 = tpu.memref_slice %arg5[%add3A_152, %dma_wait3A_182] : memref<50x512xi32, #tpu.memory_space<vmem>> -> memref<1x512xi32, #tpu.memory_space<vmem>>
        %dma_wait3A_184 = tpu.memref_squeeze %dma_wait3A_183 : memref<1x512xi32, #tpu.memory_space<vmem>> -> memref<512xi32, #tpu.memory_space<vmem>>
        %dma_wait3A_185 = arith.constant 0 : i32
        %dma_wait3A_186 = arith.constant 0 : i32
        %dma_wait3A_187 = tpu.memref_slice %arg2[%dma_wait3A_185, %dma_wait3A_186] : memref<1000000x32xf32, #tpu.memory_space<hbm>> -> memref<1000000x32xf32, #tpu.memory_space<hbm>>
        %dma_wait3A_188 = tpu.memref_slice %arg7[%dma_wait3A_177] : memref<4x!tpu.dma_semaphore, #tpu.memory_space<semaphore_mem>> -> memref<1x!tpu.dma_semaphore, #tpu.memory_space<semaphore_mem>>
        %dma_wait3A_189 = tpu.memref_squeeze %dma_wait3A_188 : memref<1x!tpu.dma_semaphore, #tpu.memory_space<semaphore_mem>> -> memref<!tpu.dma_semaphore, #tpu.memory_space<semaphore_mem>>
        tpu.wait_indirect_dma semaphore(%dma_wait3A_189 : memref<!tpu.dma_semaphore, #tpu.memory_space<semaphore_mem>>) src(%dma_wait3A_187 : memref<1000000x32xf32, #tpu.memory_space<hbm>>) dst(%dma_wait3A_181 : memref<512x32xf32, #tpu.memory_space<vmem>>)
        %dma_start3A_190 = arith.constant 1 : i32
        %dma_start3A_191 = arith.constant 1 : i32
        %dma_start3A_192 = arith.constant 0 : i32
        %dma_start3A_193 = arith.constant 0 : i32
        %dma_start3A_194 = tpu.memref_slice %arg6[%dma_start3A_190, %dma_start3A_192, %dma_start3A_193] : memref<4x512x32xf32, #tpu.memory_space<vmem>> -> memref<1x512x32xf32, #tpu.memory_space<vmem>>
        %dma_start3A_195 = tpu.memref_squeeze %dma_start3A_194 : memref<1x512x32xf32, #tpu.memory_space<vmem>> -> memref<512x32xf32, #tpu.memory_space<vmem>>
        %dma_start3A_196 = arith.constant 0 : i32
        %dma_start3A_197 = tpu.memref_slice %arg4[%add3A_152, %mul3A_2, %dma_start3A_196] : memref<50x16384x32xf32, #tpu.memory_space<hbm>> -> memref<1x512x32xf32, #tpu.memory_space<hbm>>
        %dma_start3A_198 = tpu.memref_squeeze %dma_start3A_197 : memref<1x512x32xf32, #tpu.memory_space<hbm>> -> memref<512x32xf32, #tpu.memory_space<hbm>>
        %dma_start3A_199 = tpu.memref_slice %arg8[%dma_start3A_191] : memref<4x!tpu.dma_semaphore, #tpu.memory_space<semaphore_mem>> -> memref<1x!tpu.dma_semaphore, #tpu.memory_space<semaphore_mem>>
        %dma_start3A_200 = tpu.memref_squeeze %dma_start3A_199 : memref<1x!tpu.dma_semaphore, #tpu.memory_space<semaphore_mem>> -> memref<!tpu.dma_semaphore, #tpu.memory_space<semaphore_mem>>
        %dma_start3A_201 = arith.constant 0 : i32
        %dma_start3A_202 = tpu.memref_slice %arg4[%add3A_152, %mul3A_2, %dma_start3A_201] : memref<50x16384x32xf32, #tpu.memory_space<hbm>> -> memref<1x512x32xf32, #tpu.memory_space<hbm>>
        %dma_start3A_203 = tpu.memref_squeeze %dma_start3A_202 : memref<1x512x32xf32, #tpu.memory_space<hbm>> -> memref<512x32xf32, #tpu.memory_space<hbm>>
        %dma_start3A_204 = arith.constant 0 : i32
        %dma_start3A_205 = arith.constant 0 : i32
        %dma_start3A_206 = tpu.memref_slice %arg6[%dma_start3A_190, %dma_start3A_204, %dma_start3A_205] : memref<4x512x32xf32, #tpu.memory_space<vmem>> -> memref<1x512x32xf32, #tpu.memory_space<vmem>>
        %dma_start3A_207 = tpu.memref_squeeze %dma_start3A_206 : memref<1x512x32xf32, #tpu.memory_space<vmem>> -> memref<512x32xf32, #tpu.memory_space<vmem>>
        tpu.enqueue_dma source(%dma_start3A_207 : memref<512x32xf32, #tpu.memory_space<vmem>>) target(%dma_start3A_203 : memref<512x32xf32, #tpu.memory_space<hbm>>) target_semaphore(%dma_start3A_200 : memref<!tpu.dma_semaphore, #tpu.memory_space<semaphore_mem>>)
        %add3A_208 = arith.constant 4 : i32
        %add3A_209 = arith.addi %add3A_152, %add3A_208 : i32
        %lt3A_210 = arith.constant 50 : i32
        %lt3A_211 = arith.cmpi slt, %add3A_209, %lt3A_210 : i32
        %convert_element_type3A_212 = arith.extui %lt3A_211 : i1 to i32
        %cond3A_213 = arith.constant 0 : i32
        %cond3A_214 = arith.cmpi ne, %convert_element_type3A_212, %cond3A_213 : i32
        scf.if %cond3A_214 {
          %dma_wait3A_215 = arith.constant 1 : i32
          %dma_wait3A_216 = arith.constant 1 : i32
          %dma_wait3A_217 = arith.constant 0 : i32
          %dma_wait3A_218 = arith.constant 0 : i32
          %dma_wait3A_219 = tpu.memref_slice %arg6[%dma_wait3A_215, %dma_wait3A_217, %dma_wait3A_218] : memref<4x512x32xf32, #tpu.memory_space<vmem>> -> memref<1x512x32xf32, #tpu.memory_space<vmem>>
          %dma_wait3A_220 = tpu.memref_squeeze %dma_wait3A_219 : memref<1x512x32xf32, #tpu.memory_space<vmem>> -> memref<512x32xf32, #tpu.memory_space<vmem>>
          %dma_wait3A_221 = arith.constant 0 : i32
          %dma_wait3A_222 = tpu.memref_slice %arg4[%add3A_152, %mul3A_2, %dma_wait3A_221] : memref<50x16384x32xf32, #tpu.memory_space<hbm>> -> memref<1x512x32xf32, #tpu.memory_space<hbm>>
          %dma_wait3A_223 = tpu.memref_squeeze %dma_wait3A_222 : memref<1x512x32xf32, #tpu.memory_space<hbm>> -> memref<512x32xf32, #tpu.memory_space<hbm>>
          %dma_wait3A_224 = tpu.memref_slice %arg8[%dma_wait3A_216] : memref<4x!tpu.dma_semaphore, #tpu.memory_space<semaphore_mem>> -> memref<1x!tpu.dma_semaphore, #tpu.memory_space<semaphore_mem>>
          %dma_wait3A_225 = tpu.memref_squeeze %dma_wait3A_224 : memref<1x!tpu.dma_semaphore, #tpu.memory_space<semaphore_mem>> -> memref<!tpu.dma_semaphore, #tpu.memory_space<semaphore_mem>>
          %dma_wait3A_226 = arith.constant 0 : i32
          %dma_wait3A_227 = tpu.memref_slice %arg4[%add3A_152, %mul3A_2, %dma_wait3A_226] : memref<50x16384x32xf32, #tpu.memory_space<hbm>> -> memref<1x512x32xf32, #tpu.memory_space<hbm>>
          %dma_wait3A_228 = tpu.memref_squeeze %dma_wait3A_227 : memref<1x512x32xf32, #tpu.memory_space<hbm>> -> memref<512x32xf32, #tpu.memory_space<hbm>>
          %dma_wait3A_229 = arith.constant 0 : i32
          %dma_wait3A_230 = arith.constant 0 : i32
          %dma_wait3A_231 = tpu.memref_slice %arg6[%dma_wait3A_215, %dma_wait3A_229, %dma_wait3A_230] : memref<4x512x32xf32, #tpu.memory_space<vmem>> -> memref<1x512x32xf32, #tpu.memory_space<vmem>>
          %dma_wait3A_232 = tpu.memref_squeeze %dma_wait3A_231 : memref<1x512x32xf32, #tpu.memory_space<vmem>> -> memref<512x32xf32, #tpu.memory_space<vmem>>
          tpu.wait_dma2 semaphore(%dma_wait3A_225 : memref<!tpu.dma_semaphore, #tpu.memory_space<semaphore_mem>>) src(%dma_wait3A_232 : memref<512x32xf32, #tpu.memory_space<vmem>>) dst(%dma_wait3A_228 : memref<512x32xf32, #tpu.memory_space<hbm>>)
          %add3A_233 = arith.constant 4 : i32
          %add3A_234 = arith.addi %add3A_152, %add3A_233 : i32
          %dma_start3A_235 = arith.constant 1 : i32
          %dma_start3A_236 = arith.constant 1 : i32
          %dma_start3A_237 = arith.constant 0 : i32
          %dma_start3A_238 = arith.constant 0 : i32
          %dma_start3A_239 = tpu.memref_slice %arg6[%dma_start3A_235, %dma_start3A_237, %dma_start3A_238] : memref<4x512x32xf32, #tpu.memory_space<vmem>> -> memref<1x512x32xf32, #tpu.memory_space<vmem>>
          %dma_start3A_240 = tpu.memref_squeeze %dma_start3A_239 : memref<1x512x32xf32, #tpu.memory_space<vmem>> -> memref<512x32xf32, #tpu.memory_space<vmem>>
          %dma_start3A_241 = arith.constant 0 : i32
          %dma_start3A_242 = tpu.memref_slice %arg5[%add3A_234, %dma_start3A_241] : memref<50x512xi32, #tpu.memory_space<vmem>> -> memref<1x512xi32, #tpu.memory_space<vmem>>
          %dma_start3A_243 = tpu.memref_squeeze %dma_start3A_242 : memref<1x512xi32, #tpu.memory_space<vmem>> -> memref<512xi32, #tpu.memory_space<vmem>>
          %dma_start3A_244 = arith.constant 0 : i32
          %dma_start3A_245 = arith.constant 0 : i32
          %dma_start3A_246 = tpu.memref_slice %arg2[%dma_start3A_244, %dma_start3A_245] : memref<1000000x32xf32, #tpu.memory_space<hbm>> -> memref<1000000x32xf32, #tpu.memory_space<hbm>>
          %dma_start3A_247 = tpu.memref_slice %arg7[%dma_start3A_236] : memref<4x!tpu.dma_semaphore, #tpu.memory_space<semaphore_mem>> -> memref<1x!tpu.dma_semaphore, #tpu.memory_space<semaphore_mem>>
          %dma_start3A_248 = tpu.memref_squeeze %dma_start3A_247 : memref<1x!tpu.dma_semaphore, #tpu.memory_space<semaphore_mem>> -> memref<!tpu.dma_semaphore, #tpu.memory_space<semaphore_mem>>
          tpu.enqueue_indirect_dma source(%dma_start3A_246 : memref<1000000x32xf32, #tpu.memory_space<hbm>>) target(%dma_start3A_240 : memref<512x32xf32, #tpu.memory_space<vmem>>) offsets(%dma_start3A_243 : memref<512xi32, #tpu.memory_space<vmem>>) semaphore(%dma_start3A_248 : memref<!tpu.dma_semaphore, #tpu.memory_space<semaphore_mem>>)
        } else {
        }
      } else {
      }
      %mul3A_158 = arith.constant 4 : i32
      %mul3A_159 = arith.muli %scan3A_142, %mul3A_158 : i32
      %add3A_160 = arith.constant 2 : i32
      %add3A_161 = arith.addi %mul3A_159, %add3A_160 : i32
      %lt3A_162 = arith.constant 50 : i32
      %lt3A_163 = arith.cmpi slt, %add3A_161, %lt3A_162 : i32
      %convert_element_type3A_164 = arith.extui %lt3A_163 : i1 to i32
      %cond3A_165 = arith.constant 0 : i32
      %cond3A_166 = arith.cmpi ne, %convert_element_type3A_164, %cond3A_165 : i32
      scf.if %cond3A_166 {
        %dma_wait3A_176 = arith.constant 2 : i32
        %dma_wait3A_177 = arith.constant 2 : i32
        %dma_wait3A_178 = arith.constant 0 : i32
        %dma_wait3A_179 = arith.constant 0 : i32
        %dma_wait3A_180 = tpu.memref_slice %arg6[%dma_wait3A_176, %dma_wait3A_178, %dma_wait3A_179] : memref<4x512x32xf32, #tpu.memory_space<vmem>> -> memref<1x512x32xf32, #tpu.memory_space<vmem>>
        %dma_wait3A_181 = tpu.memref_squeeze %dma_wait3A_180 : memref<1x512x32xf32, #tpu.memory_space<vmem>> -> memref<512x32xf32, #tpu.memory_space<vmem>>
        %dma_wait3A_182 = arith.constant 0 : i32
        %dma_wait3A_183 = tpu.memref_slice %arg5[%add3A_161, %dma_wait3A_182] : memref<50x512xi32, #tpu.memory_space<vmem>> -> memref<1x512xi32, #tpu.memory_space<vmem>>
        %dma_wait3A_184 = tpu.memref_squeeze %dma_wait3A_183 : memref<1x512xi32, #tpu.memory_space<vmem>> -> memref<512xi32, #tpu.memory_space<vmem>>
        %dma_wait3A_185 = arith.constant 0 : i32
        %dma_wait3A_186 = arith.constant 0 : i32
        %dma_wait3A_187 = tpu.memref_slice %arg2[%dma_wait3A_185, %dma_wait3A_186] : memref<1000000x32xf32, #tpu.memory_space<hbm>> -> memref<1000000x32xf32, #tpu.memory_space<hbm>>
        %dma_wait3A_188 = tpu.memref_slice %arg7[%dma_wait3A_177] : memref<4x!tpu.dma_semaphore, #tpu.memory_space<semaphore_mem>> -> memref<1x!tpu.dma_semaphore, #tpu.memory_space<semaphore_mem>>
        %dma_wait3A_189 = tpu.memref_squeeze %dma_wait3A_188 : memref<1x!tpu.dma_semaphore, #tpu.memory_space<semaphore_mem>> -> memref<!tpu.dma_semaphore, #tpu.memory_space<semaphore_mem>>
        tpu.wait_indirect_dma semaphore(%dma_wait3A_189 : memref<!tpu.dma_semaphore, #tpu.memory_space<semaphore_mem>>) src(%dma_wait3A_187 : memref<1000000x32xf32, #tpu.memory_space<hbm>>) dst(%dma_wait3A_181 : memref<512x32xf32, #tpu.memory_space<vmem>>)
        %dma_start3A_190 = arith.constant 2 : i32
        %dma_start3A_191 = arith.constant 2 : i32
        %dma_start3A_192 = arith.constant 0 : i32
        %dma_start3A_193 = arith.constant 0 : i32
        %dma_start3A_194 = tpu.memref_slice %arg6[%dma_start3A_190, %dma_start3A_192, %dma_start3A_193] : memref<4x512x32xf32, #tpu.memory_space<vmem>> -> memref<1x512x32xf32, #tpu.memory_space<vmem>>
        %dma_start3A_195 = tpu.memref_squeeze %dma_start3A_194 : memref<1x512x32xf32, #tpu.memory_space<vmem>> -> memref<512x32xf32, #tpu.memory_space<vmem>>
        %dma_start3A_196 = arith.constant 0 : i32
        %dma_start3A_197 = tpu.memref_slice %arg4[%add3A_161, %mul3A_2, %dma_start3A_196] : memref<50x16384x32xf32, #tpu.memory_space<hbm>> -> memref<1x512x32xf32, #tpu.memory_space<hbm>>
        %dma_start3A_198 = tpu.memref_squeeze %dma_start3A_197 : memref<1x512x32xf32, #tpu.memory_space<hbm>> -> memref<512x32xf32, #tpu.memory_space<hbm>>
        %dma_start3A_199 = tpu.memref_slice %arg8[%dma_start3A_191] : memref<4x!tpu.dma_semaphore, #tpu.memory_space<semaphore_mem>> -> memref<1x!tpu.dma_semaphore, #tpu.memory_space<semaphore_mem>>
        %dma_start3A_200 = tpu.memref_squeeze %dma_start3A_199 : memref<1x!tpu.dma_semaphore, #tpu.memory_space<semaphore_mem>> -> memref<!tpu.dma_semaphore, #tpu.memory_space<semaphore_mem>>
        %dma_start3A_201 = arith.constant 0 : i32
        %dma_start3A_202 = tpu.memref_slice %arg4[%add3A_161, %mul3A_2, %dma_start3A_201] : memref<50x16384x32xf32, #tpu.memory_space<hbm>> -> memref<1x512x32xf32, #tpu.memory_space<hbm>>
        %dma_start3A_203 = tpu.memref_squeeze %dma_start3A_202 : memref<1x512x32xf32, #tpu.memory_space<hbm>> -> memref<512x32xf32, #tpu.memory_space<hbm>>
        %dma_start3A_204 = arith.constant 0 : i32
        %dma_start3A_205 = arith.constant 0 : i32
        %dma_start3A_206 = tpu.memref_slice %arg6[%dma_start3A_190, %dma_start3A_204, %dma_start3A_205] : memref<4x512x32xf32, #tpu.memory_space<vmem>> -> memref<1x512x32xf32, #tpu.memory_space<vmem>>
        %dma_start3A_207 = tpu.memref_squeeze %dma_start3A_206 : memref<1x512x32xf32, #tpu.memory_space<vmem>> -> memref<512x32xf32, #tpu.memory_space<vmem>>
        tpu.enqueue_dma source(%dma_start3A_207 : memref<512x32xf32, #tpu.memory_space<vmem>>) target(%dma_start3A_203 : memref<512x32xf32, #tpu.memory_space<hbm>>) target_semaphore(%dma_start3A_200 : memref<!tpu.dma_semaphore, #tpu.memory_space<semaphore_mem>>)
        %add3A_208 = arith.constant 4 : i32
        %add3A_209 = arith.addi %add3A_161, %add3A_208 : i32
        %lt3A_210 = arith.constant 50 : i32
        %lt3A_211 = arith.cmpi slt, %add3A_209, %lt3A_210 : i32
        %convert_element_type3A_212 = arith.extui %lt3A_211 : i1 to i32
        %cond3A_213 = arith.constant 0 : i32
        %cond3A_214 = arith.cmpi ne, %convert_element_type3A_212, %cond3A_213 : i32
        scf.if %cond3A_214 {
          %dma_wait3A_215 = arith.constant 2 : i32
          %dma_wait3A_216 = arith.constant 2 : i32
          %dma_wait3A_217 = arith.constant 0 : i32
          %dma_wait3A_218 = arith.constant 0 : i32
          %dma_wait3A_219 = tpu.memref_slice %arg6[%dma_wait3A_215, %dma_wait3A_217, %dma_wait3A_218] : memref<4x512x32xf32, #tpu.memory_space<vmem>> -> memref<1x512x32xf32, #tpu.memory_space<vmem>>
          %dma_wait3A_220 = tpu.memref_squeeze %dma_wait3A_219 : memref<1x512x32xf32, #tpu.memory_space<vmem>> -> memref<512x32xf32, #tpu.memory_space<vmem>>
          %dma_wait3A_221 = arith.constant 0 : i32
          %dma_wait3A_222 = tpu.memref_slice %arg4[%add3A_161, %mul3A_2, %dma_wait3A_221] : memref<50x16384x32xf32, #tpu.memory_space<hbm>> -> memref<1x512x32xf32, #tpu.memory_space<hbm>>
          %dma_wait3A_223 = tpu.memref_squeeze %dma_wait3A_222 : memref<1x512x32xf32, #tpu.memory_space<hbm>> -> memref<512x32xf32, #tpu.memory_space<hbm>>
          %dma_wait3A_224 = tpu.memref_slice %arg8[%dma_wait3A_216] : memref<4x!tpu.dma_semaphore, #tpu.memory_space<semaphore_mem>> -> memref<1x!tpu.dma_semaphore, #tpu.memory_space<semaphore_mem>>
          %dma_wait3A_225 = tpu.memref_squeeze %dma_wait3A_224 : memref<1x!tpu.dma_semaphore, #tpu.memory_space<semaphore_mem>> -> memref<!tpu.dma_semaphore, #tpu.memory_space<semaphore_mem>>
          %dma_wait3A_226 = arith.constant 0 : i32
          %dma_wait3A_227 = tpu.memref_slice %arg4[%add3A_161, %mul3A_2, %dma_wait3A_226] : memref<50x16384x32xf32, #tpu.memory_space<hbm>> -> memref<1x512x32xf32, #tpu.memory_space<hbm>>
          %dma_wait3A_228 = tpu.memref_squeeze %dma_wait3A_227 : memref<1x512x32xf32, #tpu.memory_space<hbm>> -> memref<512x32xf32, #tpu.memory_space<hbm>>
          %dma_wait3A_229 = arith.constant 0 : i32
          %dma_wait3A_230 = arith.constant 0 : i32
          %dma_wait3A_231 = tpu.memref_slice %arg6[%dma_wait3A_215, %dma_wait3A_229, %dma_wait3A_230] : memref<4x512x32xf32, #tpu.memory_space<vmem>> -> memref<1x512x32xf32, #tpu.memory_space<vmem>>
          %dma_wait3A_232 = tpu.memref_squeeze %dma_wait3A_231 : memref<1x512x32xf32, #tpu.memory_space<vmem>> -> memref<512x32xf32, #tpu.memory_space<vmem>>
          tpu.wait_dma2 semaphore(%dma_wait3A_225 : memref<!tpu.dma_semaphore, #tpu.memory_space<semaphore_mem>>) src(%dma_wait3A_232 : memref<512x32xf32, #tpu.memory_space<vmem>>) dst(%dma_wait3A_228 : memref<512x32xf32, #tpu.memory_space<hbm>>)
          %add3A_233 = arith.constant 4 : i32
          %add3A_234 = arith.addi %add3A_161, %add3A_233 : i32
          %dma_start3A_235 = arith.constant 2 : i32
          %dma_start3A_236 = arith.constant 2 : i32
          %dma_start3A_237 = arith.constant 0 : i32
          %dma_start3A_238 = arith.constant 0 : i32
          %dma_start3A_239 = tpu.memref_slice %arg6[%dma_start3A_235, %dma_start3A_237, %dma_start3A_238] : memref<4x512x32xf32, #tpu.memory_space<vmem>> -> memref<1x512x32xf32, #tpu.memory_space<vmem>>
          %dma_start3A_240 = tpu.memref_squeeze %dma_start3A_239 : memref<1x512x32xf32, #tpu.memory_space<vmem>> -> memref<512x32xf32, #tpu.memory_space<vmem>>
          %dma_start3A_241 = arith.constant 0 : i32
          %dma_start3A_242 = tpu.memref_slice %arg5[%add3A_234, %dma_start3A_241] : memref<50x512xi32, #tpu.memory_space<vmem>> -> memref<1x512xi32, #tpu.memory_space<vmem>>
          %dma_start3A_243 = tpu.memref_squeeze %dma_start3A_242 : memref<1x512xi32, #tpu.memory_space<vmem>> -> memref<512xi32, #tpu.memory_space<vmem>>
          %dma_start3A_244 = arith.constant 0 : i32
          %dma_start3A_245 = arith.constant 0 : i32
          %dma_start3A_246 = tpu.memref_slice %arg2[%dma_start3A_244, %dma_start3A_245] : memref<1000000x32xf32, #tpu.memory_space<hbm>> -> memref<1000000x32xf32, #tpu.memory_space<hbm>>
          %dma_start3A_247 = tpu.memref_slice %arg7[%dma_start3A_236] : memref<4x!tpu.dma_semaphore, #tpu.memory_space<semaphore_mem>> -> memref<1x!tpu.dma_semaphore, #tpu.memory_space<semaphore_mem>>
          %dma_start3A_248 = tpu.memref_squeeze %dma_start3A_247 : memref<1x!tpu.dma_semaphore, #tpu.memory_space<semaphore_mem>> -> memref<!tpu.dma_semaphore, #tpu.memory_space<semaphore_mem>>
          tpu.enqueue_indirect_dma source(%dma_start3A_246 : memref<1000000x32xf32, #tpu.memory_space<hbm>>) target(%dma_start3A_240 : memref<512x32xf32, #tpu.memory_space<vmem>>) offsets(%dma_start3A_243 : memref<512xi32, #tpu.memory_space<vmem>>) semaphore(%dma_start3A_248 : memref<!tpu.dma_semaphore, #tpu.memory_space<semaphore_mem>>)
        } else {
        }
      } else {
      }
      %mul3A_167 = arith.constant 4 : i32
      %mul3A_168 = arith.muli %scan3A_142, %mul3A_167 : i32
      %add3A_169 = arith.constant 3 : i32
      %add3A_170 = arith.addi %mul3A_168, %add3A_169 : i32
      %lt3A_171 = arith.constant 50 : i32
      %lt3A_172 = arith.cmpi slt, %add3A_170, %lt3A_171 : i32
      %convert_element_type3A_173 = arith.extui %lt3A_172 : i1 to i32
      %cond3A_174 = arith.constant 0 : i32
      %cond3A_175 = arith.cmpi ne, %convert_element_type3A_173, %cond3A_174 : i32
      scf.if %cond3A_175 {
        %dma_wait3A_176 = arith.constant 3 : i32
        %dma_wait3A_177 = arith.constant 3 : i32
        %dma_wait3A_178 = arith.constant 0 : i32
        %dma_wait3A_179 = arith.constant 0 : i32
        %dma_wait3A_180 = tpu.memref_slice %arg6[%dma_wait3A_176, %dma_wait3A_178, %dma_wait3A_179] : memref<4x512x32xf32, #tpu.memory_space<vmem>> -> memref<1x512x32xf32, #tpu.memory_space<vmem>>
        %dma_wait3A_181 = tpu.memref_squeeze %dma_wait3A_180 : memref<1x512x32xf32, #tpu.memory_space<vmem>> -> memref<512x32xf32, #tpu.memory_space<vmem>>
        %dma_wait3A_182 = arith.constant 0 : i32
        %dma_wait3A_183 = tpu.memref_slice %arg5[%add3A_170, %dma_wait3A_182] : memref<50x512xi32, #tpu.memory_space<vmem>> -> memref<1x512xi32, #tpu.memory_space<vmem>>
        %dma_wait3A_184 = tpu.memref_squeeze %dma_wait3A_183 : memref<1x512xi32, #tpu.memory_space<vmem>> -> memref<512xi32, #tpu.memory_space<vmem>>
        %dma_wait3A_185 = arith.constant 0 : i32
        %dma_wait3A_186 = arith.constant 0 : i32
        %dma_wait3A_187 = tpu.memref_slice %arg2[%dma_wait3A_185, %dma_wait3A_186] : memref<1000000x32xf32, #tpu.memory_space<hbm>> -> memref<1000000x32xf32, #tpu.memory_space<hbm>>
        %dma_wait3A_188 = tpu.memref_slice %arg7[%dma_wait3A_177] : memref<4x!tpu.dma_semaphore, #tpu.memory_space<semaphore_mem>> -> memref<1x!tpu.dma_semaphore, #tpu.memory_space<semaphore_mem>>
        %dma_wait3A_189 = tpu.memref_squeeze %dma_wait3A_188 : memref<1x!tpu.dma_semaphore, #tpu.memory_space<semaphore_mem>> -> memref<!tpu.dma_semaphore, #tpu.memory_space<semaphore_mem>>
        tpu.wait_indirect_dma semaphore(%dma_wait3A_189 : memref<!tpu.dma_semaphore, #tpu.memory_space<semaphore_mem>>) src(%dma_wait3A_187 : memref<1000000x32xf32, #tpu.memory_space<hbm>>) dst(%dma_wait3A_181 : memref<512x32xf32, #tpu.memory_space<vmem>>)
        %dma_start3A_190 = arith.constant 3 : i32
        %dma_start3A_191 = arith.constant 3 : i32
        %dma_start3A_192 = arith.constant 0 : i32
        %dma_start3A_193 = arith.constant 0 : i32
        %dma_start3A_194 = tpu.memref_slice %arg6[%dma_start3A_190, %dma_start3A_192, %dma_start3A_193] : memref<4x512x32xf32, #tpu.memory_space<vmem>> -> memref<1x512x32xf32, #tpu.memory_space<vmem>>
        %dma_start3A_195 = tpu.memref_squeeze %dma_start3A_194 : memref<1x512x32xf32, #tpu.memory_space<vmem>> -> memref<512x32xf32, #tpu.memory_space<vmem>>
        %dma_start3A_196 = arith.constant 0 : i32
        %dma_start3A_197 = tpu.memref_slice %arg4[%add3A_170, %mul3A_2, %dma_start3A_196] : memref<50x16384x32xf32, #tpu.memory_space<hbm>> -> memref<1x512x32xf32, #tpu.memory_space<hbm>>
        %dma_start3A_198 = tpu.memref_squeeze %dma_start3A_197 : memref<1x512x32xf32, #tpu.memory_space<hbm>> -> memref<512x32xf32, #tpu.memory_space<hbm>>
        %dma_start3A_199 = tpu.memref_slice %arg8[%dma_start3A_191] : memref<4x!tpu.dma_semaphore, #tpu.memory_space<semaphore_mem>> -> memref<1x!tpu.dma_semaphore, #tpu.memory_space<semaphore_mem>>
        %dma_start3A_200 = tpu.memref_squeeze %dma_start3A_199 : memref<1x!tpu.dma_semaphore, #tpu.memory_space<semaphore_mem>> -> memref<!tpu.dma_semaphore, #tpu.memory_space<semaphore_mem>>
        %dma_start3A_201 = arith.constant 0 : i32
        %dma_start3A_202 = tpu.memref_slice %arg4[%add3A_170, %mul3A_2, %dma_start3A_201] : memref<50x16384x32xf32, #tpu.memory_space<hbm>> -> memref<1x512x32xf32, #tpu.memory_space<hbm>>
        %dma_start3A_203 = tpu.memref_squeeze %dma_start3A_202 : memref<1x512x32xf32, #tpu.memory_space<hbm>> -> memref<512x32xf32, #tpu.memory_space<hbm>>
        %dma_start3A_204 = arith.constant 0 : i32
        %dma_start3A_205 = arith.constant 0 : i32
        %dma_start3A_206 = tpu.memref_slice %arg6[%dma_start3A_190, %dma_start3A_204, %dma_start3A_205] : memref<4x512x32xf32, #tpu.memory_space<vmem>> -> memref<1x512x32xf32, #tpu.memory_space<vmem>>
        %dma_start3A_207 = tpu.memref_squeeze %dma_start3A_206 : memref<1x512x32xf32, #tpu.memory_space<vmem>> -> memref<512x32xf32, #tpu.memory_space<vmem>>
        tpu.enqueue_dma source(%dma_start3A_207 : memref<512x32xf32, #tpu.memory_space<vmem>>) target(%dma_start3A_203 : memref<512x32xf32, #tpu.memory_space<hbm>>) target_semaphore(%dma_start3A_200 : memref<!tpu.dma_semaphore, #tpu.memory_space<semaphore_mem>>)
        %add3A_208 = arith.constant 4 : i32
        %add3A_209 = arith.addi %add3A_170, %add3A_208 : i32
        %lt3A_210 = arith.constant 50 : i32
        %lt3A_211 = arith.cmpi slt, %add3A_209, %lt3A_210 : i32
        %convert_element_type3A_212 = arith.extui %lt3A_211 : i1 to i32
        %cond3A_213 = arith.constant 0 : i32
        %cond3A_214 = arith.cmpi ne, %convert_element_type3A_212, %cond3A_213 : i32
        scf.if %cond3A_214 {
          %dma_wait3A_215 = arith.constant 3 : i32
          %dma_wait3A_216 = arith.constant 3 : i32
          %dma_wait3A_217 = arith.constant 0 : i32
          %dma_wait3A_218 = arith.constant 0 : i32
          %dma_wait3A_219 = tpu.memref_slice %arg6[%dma_wait3A_215, %dma_wait3A_217, %dma_wait3A_218] : memref<4x512x32xf32, #tpu.memory_space<vmem>> -> memref<1x512x32xf32, #tpu.memory_space<vmem>>
          %dma_wait3A_220 = tpu.memref_squeeze %dma_wait3A_219 : memref<1x512x32xf32, #tpu.memory_space<vmem>> -> memref<512x32xf32, #tpu.memory_space<vmem>>
          %dma_wait3A_221 = arith.constant 0 : i32
          %dma_wait3A_222 = tpu.memref_slice %arg4[%add3A_170, %mul3A_2, %dma_wait3A_221] : memref<50x16384x32xf32, #tpu.memory_space<hbm>> -> memref<1x512x32xf32, #tpu.memory_space<hbm>>
          %dma_wait3A_223 = tpu.memref_squeeze %dma_wait3A_222 : memref<1x512x32xf32, #tpu.memory_space<hbm>> -> memref<512x32xf32, #tpu.memory_space<hbm>>
          %dma_wait3A_224 = tpu.memref_slice %arg8[%dma_wait3A_216] : memref<4x!tpu.dma_semaphore, #tpu.memory_space<semaphore_mem>> -> memref<1x!tpu.dma_semaphore, #tpu.memory_space<semaphore_mem>>
          %dma_wait3A_225 = tpu.memref_squeeze %dma_wait3A_224 : memref<1x!tpu.dma_semaphore, #tpu.memory_space<semaphore_mem>> -> memref<!tpu.dma_semaphore, #tpu.memory_space<semaphore_mem>>
          %dma_wait3A_226 = arith.constant 0 : i32
          %dma_wait3A_227 = tpu.memref_slice %arg4[%add3A_170, %mul3A_2, %dma_wait3A_226] : memref<50x16384x32xf32, #tpu.memory_space<hbm>> -> memref<1x512x32xf32, #tpu.memory_space<hbm>>
          %dma_wait3A_228 = tpu.memref_squeeze %dma_wait3A_227 : memref<1x512x32xf32, #tpu.memory_space<hbm>> -> memref<512x32xf32, #tpu.memory_space<hbm>>
          %dma_wait3A_229 = arith.constant 0 : i32
          %dma_wait3A_230 = arith.constant 0 : i32
          %dma_wait3A_231 = tpu.memref_slice %arg6[%dma_wait3A_215, %dma_wait3A_229, %dma_wait3A_230] : memref<4x512x32xf32, #tpu.memory_space<vmem>> -> memref<1x512x32xf32, #tpu.memory_space<vmem>>
          %dma_wait3A_232 = tpu.memref_squeeze %dma_wait3A_231 : memref<1x512x32xf32, #tpu.memory_space<vmem>> -> memref<512x32xf32, #tpu.memory_space<vmem>>
          tpu.wait_dma2 semaphore(%dma_wait3A_225 : memref<!tpu.dma_semaphore, #tpu.memory_space<semaphore_mem>>) src(%dma_wait3A_232 : memref<512x32xf32, #tpu.memory_space<vmem>>) dst(%dma_wait3A_228 : memref<512x32xf32, #tpu.memory_space<hbm>>)
          %add3A_233 = arith.constant 4 : i32
          %add3A_234 = arith.addi %add3A_170, %add3A_233 : i32
          %dma_start3A_235 = arith.constant 3 : i32
          %dma_start3A_236 = arith.constant 3 : i32
          %dma_start3A_237 = arith.constant 0 : i32
          %dma_start3A_238 = arith.constant 0 : i32
          %dma_start3A_239 = tpu.memref_slice %arg6[%dma_start3A_235, %dma_start3A_237, %dma_start3A_238] : memref<4x512x32xf32, #tpu.memory_space<vmem>> -> memref<1x512x32xf32, #tpu.memory_space<vmem>>
          %dma_start3A_240 = tpu.memref_squeeze %dma_start3A_239 : memref<1x512x32xf32, #tpu.memory_space<vmem>> -> memref<512x32xf32, #tpu.memory_space<vmem>>
          %dma_start3A_241 = arith.constant 0 : i32
          %dma_start3A_242 = tpu.memref_slice %arg5[%add3A_234, %dma_start3A_241] : memref<50x512xi32, #tpu.memory_space<vmem>> -> memref<1x512xi32, #tpu.memory_space<vmem>>
          %dma_start3A_243 = tpu.memref_squeeze %dma_start3A_242 : memref<1x512xi32, #tpu.memory_space<vmem>> -> memref<512xi32, #tpu.memory_space<vmem>>
          %dma_start3A_244 = arith.constant 0 : i32
          %dma_start3A_245 = arith.constant 0 : i32
          %dma_start3A_246 = tpu.memref_slice %arg2[%dma_start3A_244, %dma_start3A_245] : memref<1000000x32xf32, #tpu.memory_space<hbm>> -> memref<1000000x32xf32, #tpu.memory_space<hbm>>
          %dma_start3A_247 = tpu.memref_slice %arg7[%dma_start3A_236] : memref<4x!tpu.dma_semaphore, #tpu.memory_space<semaphore_mem>> -> memref<1x!tpu.dma_semaphore, #tpu.memory_space<semaphore_mem>>
          %dma_start3A_248 = tpu.memref_squeeze %dma_start3A_247 : memref<1x!tpu.dma_semaphore, #tpu.memory_space<semaphore_mem>> -> memref<!tpu.dma_semaphore, #tpu.memory_space<semaphore_mem>>
          tpu.enqueue_indirect_dma source(%dma_start3A_246 : memref<1000000x32xf32, #tpu.memory_space<hbm>>) target(%dma_start3A_240 : memref<512x32xf32, #tpu.memory_space<vmem>>) offsets(%dma_start3A_243 : memref<512xi32, #tpu.memory_space<vmem>>) semaphore(%dma_start3A_248 : memref<!tpu.dma_semaphore, #tpu.memory_space<semaphore_mem>>)
        } else {
        }
      } else {
      }
    }
    %scan3A_66 = arith.constant 13 : i32
    %dma_wait3A = arith.constant 0 : i32
    %dma_wait3A_67 = arith.constant 46 : i32
    %dma_wait3A_68 = arith.constant 0 : i32
    %dma_wait3A_69 = arith.constant 0 : i32
    %dma_wait3A_70 = arith.constant 0 : i32
    %dma_wait3A_71 = tpu.memref_slice %arg6[%dma_wait3A, %dma_wait3A_69, %dma_wait3A_70] : memref<4x512x32xf32, #tpu.memory_space<vmem>> -> memref<1x512x32xf32, #tpu.memory_space<vmem>>
    %dma_wait3A_72 = tpu.memref_squeeze %dma_wait3A_71 : memref<1x512x32xf32, #tpu.memory_space<vmem>> -> memref<512x32xf32, #tpu.memory_space<vmem>>
    %dma_wait3A_73 = arith.constant 0 : i32
    %dma_wait3A_74 = tpu.memref_slice %arg4[%dma_wait3A_67, %mul3A_2, %dma_wait3A_73] : memref<50x16384x32xf32, #tpu.memory_space<hbm>> -> memref<1x512x32xf32, #tpu.memory_space<hbm>>
    %dma_wait3A_75 = tpu.memref_squeeze %dma_wait3A_74 : memref<1x512x32xf32, #tpu.memory_space<hbm>> -> memref<512x32xf32, #tpu.memory_space<hbm>>
    %dma_wait3A_76 = tpu.memref_slice %arg8[%dma_wait3A_68] : memref<4x!tpu.dma_semaphore, #tpu.memory_space<semaphore_mem>> -> memref<1x!tpu.dma_semaphore, #tpu.memory_space<semaphore_mem>>
    %dma_wait3A_77 = tpu.memref_squeeze %dma_wait3A_76 : memref<1x!tpu.dma_semaphore, #tpu.memory_space<semaphore_mem>> -> memref<!tpu.dma_semaphore, #tpu.memory_space<semaphore_mem>>
    %dma_wait3A_78 = arith.constant 0 : i32
    %dma_wait3A_79 = tpu.memref_slice %arg4[%dma_wait3A_67, %mul3A_2, %dma_wait3A_78] : memref<50x16384x32xf32, #tpu.memory_space<hbm>> -> memref<1x512x32xf32, #tpu.memory_space<hbm>>
    %dma_wait3A_80 = tpu.memref_squeeze %dma_wait3A_79 : memref<1x512x32xf32, #tpu.memory_space<hbm>> -> memref<512x32xf32, #tpu.memory_space<hbm>>
    %dma_wait3A_81 = arith.constant 0 : i32
    %dma_wait3A_82 = arith.constant 0 : i32
    %dma_wait3A_83 = tpu.memref_slice %arg6[%dma_wait3A, %dma_wait3A_81, %dma_wait3A_82] : memref<4x512x32xf32, #tpu.memory_space<vmem>> -> memref<1x512x32xf32, #tpu.memory_space<vmem>>
    %dma_wait3A_84 = tpu.memref_squeeze %dma_wait3A_83 : memref<1x512x32xf32, #tpu.memory_space<vmem>> -> memref<512x32xf32, #tpu.memory_space<vmem>>
    tpu.wait_dma2 semaphore(%dma_wait3A_77 : memref<!tpu.dma_semaphore, #tpu.memory_space<semaphore_mem>>) src(%dma_wait3A_84 : memref<512x32xf32, #tpu.memory_space<vmem>>) dst(%dma_wait3A_80 : memref<512x32xf32, #tpu.memory_space<hbm>>)
    %dma_wait3A_85 = arith.constant 1 : i32
    %dma_wait3A_86 = arith.constant 47 : i32
    %dma_wait3A_87 = arith.constant 1 : i32
    %dma_wait3A_88 = arith.constant 0 : i32
    %dma_wait3A_89 = arith.constant 0 : i32
    %dma_wait3A_90 = tpu.memref_slice %arg6[%dma_wait3A_85, %dma_wait3A_88, %dma_wait3A_89] : memref<4x512x32xf32, #tpu.memory_space<vmem>> -> memref<1x512x32xf32, #tpu.memory_space<vmem>>
    %dma_wait3A_91 = tpu.memref_squeeze %dma_wait3A_90 : memref<1x512x32xf32, #tpu.memory_space<vmem>> -> memref<512x32xf32, #tpu.memory_space<vmem>>
    %dma_wait3A_92 = arith.constant 0 : i32
    %dma_wait3A_93 = tpu.memref_slice %arg4[%dma_wait3A_86, %mul3A_2, %dma_wait3A_92] : memref<50x16384x32xf32, #tpu.memory_space<hbm>> -> memref<1x512x32xf32, #tpu.memory_space<hbm>>
    %dma_wait3A_94 = tpu.memref_squeeze %dma_wait3A_93 : memref<1x512x32xf32, #tpu.memory_space<hbm>> -> memref<512x32xf32, #tpu.memory_space<hbm>>
    %dma_wait3A_95 = tpu.memref_slice %arg8[%dma_wait3A_87] : memref<4x!tpu.dma_semaphore, #tpu.memory_space<semaphore_mem>> -> memref<1x!tpu.dma_semaphore, #tpu.memory_space<semaphore_mem>>
    %dma_wait3A_96 = tpu.memref_squeeze %dma_wait3A_95 : memref<1x!tpu.dma_semaphore, #tpu.memory_space<semaphore_mem>> -> memref<!tpu.dma_semaphore, #tpu.memory_space<semaphore_mem>>
    %dma_wait3A_97 = arith.constant 0 : i32
    %dma_wait3A_98 = tpu.memref_slice %arg4[%dma_wait3A_86, %mul3A_2, %dma_wait3A_97] : memref<50x16384x32xf32, #tpu.memory_space<hbm>> -> memref<1x512x32xf32, #tpu.memory_space<hbm>>
    %dma_wait3A_99 = tpu.memref_squeeze %dma_wait3A_98 : memref<1x512x32xf32, #tpu.memory_space<hbm>> -> memref<512x32xf32, #tpu.memory_space<hbm>>
    %dma_wait3A_100 = arith.constant 0 : i32
    %dma_wait3A_101 = arith.constant 0 : i32
    %dma_wait3A_102 = tpu.memref_slice %arg6[%dma_wait3A_85, %dma_wait3A_100, %dma_wait3A_101] : memref<4x512x32xf32, #tpu.memory_space<vmem>> -> memref<1x512x32xf32, #tpu.memory_space<vmem>>
    %dma_wait3A_103 = tpu.memref_squeeze %dma_wait3A_102 : memref<1x512x32xf32, #tpu.memory_space<vmem>> -> memref<512x32xf32, #tpu.memory_space<vmem>>
    tpu.wait_dma2 semaphore(%dma_wait3A_96 : memref<!tpu.dma_semaphore, #tpu.memory_space<semaphore_mem>>) src(%dma_wait3A_103 : memref<512x32xf32, #tpu.memory_space<vmem>>) dst(%dma_wait3A_99 : memref<512x32xf32, #tpu.memory_space<hbm>>)
    %dma_wait3A_104 = arith.constant 2 : i32
    %dma_wait3A_105 = arith.constant 48 : i32
    %dma_wait3A_106 = arith.constant 2 : i32
    %dma_wait3A_107 = arith.constant 0 : i32
    %dma_wait3A_108 = arith.constant 0 : i32
    %dma_wait3A_109 = tpu.memref_slice %arg6[%dma_wait3A_104, %dma_wait3A_107, %dma_wait3A_108] : memref<4x512x32xf32, #tpu.memory_space<vmem>> -> memref<1x512x32xf32, #tpu.memory_space<vmem>>
    %dma_wait3A_110 = tpu.memref_squeeze %dma_wait3A_109 : memref<1x512x32xf32, #tpu.memory_space<vmem>> -> memref<512x32xf32, #tpu.memory_space<vmem>>
    %dma_wait3A_111 = arith.constant 0 : i32
    %dma_wait3A_112 = tpu.memref_slice %arg4[%dma_wait3A_105, %mul3A_2, %dma_wait3A_111] : memref<50x16384x32xf32, #tpu.memory_space<hbm>> -> memref<1x512x32xf32, #tpu.memory_space<hbm>>
    %dma_wait3A_113 = tpu.memref_squeeze %dma_wait3A_112 : memref<1x512x32xf32, #tpu.memory_space<hbm>> -> memref<512x32xf32, #tpu.memory_space<hbm>>
    %dma_wait3A_114 = tpu.memref_slice %arg8[%dma_wait3A_106] : memref<4x!tpu.dma_semaphore, #tpu.memory_space<semaphore_mem>> -> memref<1x!tpu.dma_semaphore, #tpu.memory_space<semaphore_mem>>
    %dma_wait3A_115 = tpu.memref_squeeze %dma_wait3A_114 : memref<1x!tpu.dma_semaphore, #tpu.memory_space<semaphore_mem>> -> memref<!tpu.dma_semaphore, #tpu.memory_space<semaphore_mem>>
    %dma_wait3A_116 = arith.constant 0 : i32
    %dma_wait3A_117 = tpu.memref_slice %arg4[%dma_wait3A_105, %mul3A_2, %dma_wait3A_116] : memref<50x16384x32xf32, #tpu.memory_space<hbm>> -> memref<1x512x32xf32, #tpu.memory_space<hbm>>
    %dma_wait3A_118 = tpu.memref_squeeze %dma_wait3A_117 : memref<1x512x32xf32, #tpu.memory_space<hbm>> -> memref<512x32xf32, #tpu.memory_space<hbm>>
    %dma_wait3A_119 = arith.constant 0 : i32
    %dma_wait3A_120 = arith.constant 0 : i32
    %dma_wait3A_121 = tpu.memref_slice %arg6[%dma_wait3A_104, %dma_wait3A_119, %dma_wait3A_120] : memref<4x512x32xf32, #tpu.memory_space<vmem>> -> memref<1x512x32xf32, #tpu.memory_space<vmem>>
    %dma_wait3A_122 = tpu.memref_squeeze %dma_wait3A_121 : memref<1x512x32xf32, #tpu.memory_space<vmem>> -> memref<512x32xf32, #tpu.memory_space<vmem>>
    tpu.wait_dma2 semaphore(%dma_wait3A_115 : memref<!tpu.dma_semaphore, #tpu.memory_space<semaphore_mem>>) src(%dma_wait3A_122 : memref<512x32xf32, #tpu.memory_space<vmem>>) dst(%dma_wait3A_118 : memref<512x32xf32, #tpu.memory_space<hbm>>)
    %dma_wait3A_123 = arith.constant 3 : i32
    %dma_wait3A_124 = arith.constant 49 : i32
    %dma_wait3A_125 = arith.constant 3 : i32
    %dma_wait3A_126 = arith.constant 0 : i32
    %dma_wait3A_127 = arith.constant 0 : i32
    %dma_wait3A_128 = tpu.memref_slice %arg6[%dma_wait3A_123, %dma_wait3A_126, %dma_wait3A_127] : memref<4x512x32xf32, #tpu.memory_space<vmem>> -> memref<1x512x32xf32, #tpu.memory_space<vmem>>
    %dma_wait3A_129 = tpu.memref_squeeze %dma_wait3A_128 : memref<1x512x32xf32, #tpu.memory_space<vmem>> -> memref<512x32xf32, #tpu.memory_space<vmem>>
    %dma_wait3A_130 = arith.constant 0 : i32
    %dma_wait3A_131 = tpu.memref_slice %arg4[%dma_wait3A_124, %mul3A_2, %dma_wait3A_130] : memref<50x16384x32xf32, #tpu.memory_space<hbm>> -> memref<1x512x32xf32, #tpu.memory_space<hbm>>
    %dma_wait3A_132 = tpu.memref_squeeze %dma_wait3A_131 : memref<1x512x32xf32, #tpu.memory_space<hbm>> -> memref<512x32xf32, #tpu.memory_space<hbm>>
    %dma_wait3A_133 = tpu.memref_slice %arg8[%dma_wait3A_125] : memref<4x!tpu.dma_semaphore, #tpu.memory_space<semaphore_mem>> -> memref<1x!tpu.dma_semaphore, #tpu.memory_space<semaphore_mem>>
    %dma_wait3A_134 = tpu.memref_squeeze %dma_wait3A_133 : memref<1x!tpu.dma_semaphore, #tpu.memory_space<semaphore_mem>> -> memref<!tpu.dma_semaphore, #tpu.memory_space<semaphore_mem>>
    %dma_wait3A_135 = arith.constant 0 : i32
    %dma_wait3A_136 = tpu.memref_slice %arg4[%dma_wait3A_124, %mul3A_2, %dma_wait3A_135] : memref<50x16384x32xf32, #tpu.memory_space<hbm>> -> memref<1x512x32xf32, #tpu.memory_space<hbm>>
    %dma_wait3A_137 = tpu.memref_squeeze %dma_wait3A_136 : memref<1x512x32xf32, #tpu.memory_space<hbm>> -> memref<512x32xf32, #tpu.memory_space<hbm>>
    %dma_wait3A_138 = arith.constant 0 : i32
    %dma_wait3A_139 = arith.constant 0 : i32
    %dma_wait3A_140 = tpu.memref_slice %arg6[%dma_wait3A_123, %dma_wait3A_138, %dma_wait3A_139] : memref<4x512x32xf32, #tpu.memory_space<vmem>> -> memref<1x512x32xf32, #tpu.memory_space<vmem>>
    %dma_wait3A_141 = tpu.memref_squeeze %dma_wait3A_140 : memref<1x512x32xf32, #tpu.memory_space<vmem>> -> memref<512x32xf32, #tpu.memory_space<vmem>>
    tpu.wait_dma2 semaphore(%dma_wait3A_134 : memref<!tpu.dma_semaphore, #tpu.memory_space<semaphore_mem>>) src(%dma_wait3A_141 : memref<512x32xf32, #tpu.memory_space<vmem>>) dst(%dma_wait3A_137 : memref<512x32xf32, #tpu.memory_space<hbm>>)
    return
  }
}

</mosaic_0001>

<sc_bundles>
// kernel: _embedding_gather.3.cloned.1.call-start
scs
__scs_entry_jumppad:
0x0: {  	(pc) =	sbr.rel $0x88, $3  }
0x1: {  	(tag) =	ssettag $0x0;
	lr =	simm.s32 $0x1  }
0x2: {  	[smem:$0x3F9F] =	sst lr;
	_ =	strace $0xD0000000  }
0x3: {  	_ = 	snop  }
0x4: {  	_ = 	snop  }
0x5: {  	_ = 	snop  }
0x6: {  	_ = 	snop  }
0x7: {  	_ = 	snop  }
__scs_overlays_trampoline_lowered:
0x8: {  	[smem:$0x3FAE] =	sst s0  }
0x9: {  	[smem:$0x3FAF] =	sst s1  }
0xa: {  	[smem:$0x3FB0] =	sst s2  }
0xb: {  	[smem:$0x3FB1] =	sst s3  }
0xc: {  	[smem:$0x3FB2] =	sst s4  }
0xd: {  	[smem:$0x3FB3] =	sst s5  }
0xe: {  	[smem:$0x3FB4] =	sst s6  }
0xf: {  	[smem:$0x3FB5] =	sst s7  }
0x10: {  	[smem:$0x3FB6] =	sst s8  }
0x11: {  	[smem:$0x3FB7] =	sst s9;
	s0 =	simm.s32 @!p0 $0x0  }
0x12: {  	s1 =	sld [smem:$0x3F9D];
	s0 =	simm.s32 @p0 $0x1  }
0x13: {  	[smem:$0x3FB8] =	sst s0;
	s0 =	simm.s32 @!p1 $0x0  }
0x14: {  	s2 =	sld [smem:$0x3F9C];
	s0 =	simm.s32 @p1 $0x1  }
0x15: {  	[smem:$0x3FB9] =	sst s0;
	s0 =	simm.s32 @!p2 $0x0  }
0x16: {  	s3 =	sld [smem:$0x3FDB];
	s0 =	simm.s32 @p2 $0x1  }
0x17: {  	s4 =	simm.s32 $0x1BF5;
	[smem:$0x3FBB] =	sst s0  }
0x18: {  	s0 =	sld [smem:$0x3F9E];
	_ =	swait.ge [sflag:s4], $0x0  }
0x19: {  	s7 =	sld [smem:$0x3F9F]  }
0x1a: {  	s8 =	sadd.s32 $0xFFFFE003, lr  }
0x1b: {  	s9 =	sadd.s32 $0xFFFFFEF7, lr;
	s5 =	simm.s32 $0xFFFFFFFF;
	p2 =	slt.u32 s8, $0xFFFFF086  }
0x1c: {  	p1 =	slt.u32 s9, $0xF7A;
	s5 =	simm.s32 @!p2 $0x0  }
0x1d: {  	s5 =	simm.s32 @p1 $0x1;
	p0 =	seq.s32 s7, s2  }
0x1e: {  	s7 =	smul.u32 @!p0 $0xF7A, s2;
	p2 =	seq.s32 @!p0 s5, $0x0  }
0x1f: {  	s9 =	smul.u32 $0xF7A, s1;
	s8 =	simm.s32 @!p0 $0x1BF5;
	p2 =	por !p2, p0  }
0x20: {  	[sflag:s8] =	ssyncset.s32 @!p0 $0xFFFFF086;
	s6 =	sadd.s32 @!p0 s3, s7;
	s7 =	simm.s32 @!p0 $0x108  }
0x21: {  	s3 =	sadd.s32 s3, s9;
	s6 =	sadd.s32 @!p0 $0x88, s6;
	s7 =	simm.s32 @p2 $0x1082  }
0x22: {  	[simem:s7], [sflag:s8] =	dma.local @!p0 [hbm:s6], $0xF7A  }
0x23: {  	s9 =	sor.u32 $0xD0000000, s2;
	s6 =	simm.s32 $0x108;
	_ =	swait.ge @!p0 [sflag:s8], $0x0  }
0x24: {  	s3 =	sadd.s32 $0x88, s3;
	s6 =	simm.s32 @!p1 $0x1082;
	[sflag:s4] =	ssyncset.s32 $0xFFFFF086  }
0x25: {  	[simem:s6], [sflag:s4] =	dma.local [hbm:s3], $0xF7A  }
0x26: {  	[smem:$0x3F9F] =	sst s1;
	(tag) =	ssettag s2;
	_ =	strace s9  }
0x27: {  	s1 =	sld [smem:$0x3FAF]  }
0x28: {  	s2 =	sld [smem:$0x3FB0]  }
0x29: {  	s4 =	sld [smem:$0x3FB2]  }
0x2a: {  	p0 =	seq.s32 s5, $0x0;
	s5 =	sld [smem:$0x3FB3]  }
0x2b: {  	s6 =	sld [smem:$0x3FB4]  }
0x2c: {  	s7 =	sld [smem:$0x3FB5]  }
0x2d: {  	s3 =	simm.s32 $0x108;
	s8 =	sld [smem:$0x3FB6]  }
0x2e: {  	s3 =	simm.s32 @!p0 $0x1082;
	s9 =	sld [smem:$0x3FB7]  }
0x2f: {  	lr =	sadd.s32 s0, s3;
	s0 =	sld [smem:$0x3FAE]  }
0x30: {  	s3 =	sld [smem:$0x3FB1]  }
0x31: {  	[smem:$0x3FBA] =	sst s10  }
0x32: {  	s10 =	sld [smem:$0x3FB8];
	_ =	sdelay $0x3  }
0x33: {  	p0 =	seq.s32 s10, $0x1;
	s10 =	sld [smem:$0x3FBA];
	_ =	sdelay $0x3  }
0x34: {  	[smem:$0x3FBA] =	sst s10  }
0x35: {  	s10 =	sld [smem:$0x3FB9];
	_ =	sdelay $0x3  }
0x36: {  	p1 =	seq.s32 s10, $0x1;
	s10 =	sld [smem:$0x3FBA];
	_ =	sdelay $0x3  }
0x37: {  	[smem:$0x3FBA] =	sst s10  }
0x38: {  	s10 =	sld [smem:$0x3FBB]  }
0x39: {  	_ = 	snop;
	(pc) =	sbr.ind lr, $3  }
0x3a: {  	_ = 	snop  }
0x3b: {  	_ = 	snop  }
0x3c: {  	p2 =	seq.s32 s10, $0x1;
	s10 =	sld [smem:$0x3FBA]  }
0x3d: {  	_ =	shalt  }
0x3e: {  	_ =	shalt  }
0x3f: {  	_ =	shalt  }
0x40: {  	_ =	shalt  }
0x41: {  	_ =	shalt  }
0x42: {  	_ =	shalt  }
0x43: {  	_ =	shalt  }
0x44: {  	_ =	shalt  }
0x45: {  	_ =	shalt  }
0x46: {  	_ =	shalt  }
0x47: {  	_ =	shalt  }
0x48: {  	_ =	shalt  }
0x49: {  	_ =	shalt  }
0x4a: {  	_ =	shalt  }
0x4b: {  	_ =	shalt  }
0x4c: {  	_ =	shalt  }
0x4d: {  	_ =	shalt  }
0x4e: {  	_ =	shalt  }
0x4f: {  	_ =	shalt  }
0x50: {  	_ =	shalt  }
0x51: {  	_ =	shalt  }
0x52: {  	_ =	shalt  }
0x53: {  	_ =	shalt  }
0x54: {  	_ =	shalt  }
0x55: {  	_ =	shalt  }
0x56: {  	_ =	shalt  }
0x57: {  	_ =	shalt  }
0x58: {  	_ =	shalt  }
0x59: {  	_ =	shalt  }
0x5a: {  	_ =	shalt  }
0x5b: {  	_ =	shalt  }
0x5c: {  	_ =	shalt  }
0x5d: {  	_ =	shalt  }
0x5e: {  	_ =	shalt  }
0x5f: {  	_ =	shalt  }
0x60: {  	_ =	shalt  }
0x61: {  	_ =	shalt  }
0x62: {  	_ =	shalt  }
0x63: {  	_ =	shalt  }
0x64: {  	_ =	shalt  }
0x65: {  	_ =	shalt  }
0x66: {  	_ =	shalt  }
0x67: {  	_ =	shalt  }
0x68: {  	_ =	shalt  }
0x69: {  	_ =	shalt  }
0x6a: {  	_ =	shalt  }
0x6b: {  	_ =	shalt  }
0x6c: {  	_ =	shalt  }
0x6d: {  	_ =	shalt  }
0x6e: {  	_ =	shalt  }
0x6f: {  	_ =	shalt  }
0x70: {  	_ =	shalt  }
0x71: {  	_ =	shalt  }
0x72: {  	_ =	shalt  }
0x73: {  	_ =	shalt  }
0x74: {  	_ =	shalt  }
0x75: {  	_ =	shalt  }
0x76: {  	_ =	shalt  }
0x77: {  	_ =	shalt  }
0x78: {  	_ =	shalt  }
0x79: {  	_ =	shalt  }
0x7a: {  	_ =	shalt  }
0x7b: {  	_ =	shalt  }
0x7c: {  	_ =	shalt  }
0x7d: {  	_ =	shalt  }
0x7e: {  	_ =	shalt  }
0x7f: {  	_ =	shalt  }
0x80: {  	_ =	shalt  }
0x81: {  	_ =	shalt  }
0x82: {  	_ =	shalt  }
0x83: {  	_ =	shalt  }
0x84: {  	_ =	shalt  }
0x85: {  	_ =	shalt  }
0x86: {  	_ =	shalt  }
0x87: {  	_ =	shalt  }
.Lfunc_end0:
.L_simem_size_0:
called_computation.1_lowered:
.L_overlay_start_0:
0x88: {  	s2 =	sld [smem:$0x3FD9]  }
0x89: {  	s3 =	sld [smem:$0x3FFE];
	_ =	sdelay $0x1  }
0x8a: {  	s1 =	srdreg.scid  }
0x8b: {  	s0 =	sand.u32 $0x1, s1  }
0x8c: {  	s17 =	sshll.u32 s0, $0xA;
	s2 =	sadd.s32 s3, s2  }
0x8d: {  	s2 =	sadd.s32 s2, s17  }
0x8e: {  	[smem:$0x3FC6] =	sst s2  }
0x8f: {  	_ = 	snop  }
0x90: {  	s2 =	sld [smem:$0x3FD0];
	(tm) =	ssettm $0x1  }
0x91: {  	s18 =	sld [smem:$0x3FFB];
	_ =	sdelay $0x3  }
0x92: {  	_ =	strace s18  }
0x93: {  	s3 =	sld [smem:$0x3FFC];
	_ =	sdelay $0x3  }
0x94: {  	_ =	strace s3  }
0x95: {  	s3 =	sld [smem:$0x3FFD];
	_ =	sdelay $0x3  }
0x96: {  	_ =	strace s3  }
0x97: {  	_ =	strace $0x8FFFFFFF  }
0x98: {  	s19 =	sld [smem:$0x3FDB];
	_ =	sdelay $0x1  }
0x99: {  	s4 =	simm.s32 $_scs_section_size  }
0x9a: {  	s5 =	simm.s32 $_size__tile_overlayer_lowered;
	s6 =	simm.s32 $_tile_overlayer_lowered  }
0x9b: {  	s22 =	simm.s32 $0x1BFF;
	s21 =	sshll.u32 s6, $0x1;
	s3 =	sadd.s32 s4, s19  }
0x9c: {  	s7 =	simm.s32 $0x0;
	s20 =	sshll.u32 s5, $0x1;
	s5 =	sadd.s32 s21, s3  }
0x9d: {  	[timem:s7], [sflag:s22] =	dma.local [hbm:s5], s20  }
0x9e: {  	_ =	swait.ge [sflag:s22], s20  }
0x9f: {  	s4 =	ssub.s32 $0x0, s20;
	[sflag:s22] =	ssyncset.done $0x0  }
0xa0: {  	[sflag:s22] =	ssyncadd.s32 s4;
	_ =	sdelay $0x1  }
0xa1: {  	s23 =	simm.s32 $0x1B8B  }
0xa2: {  	_ =	swait.ge [sflag:s23], $0x1  }
0xa3: {  	[sflag:s23] =	ssyncset.done $0x0  }
0xa4: {  	s25 =	simm.s32 $0x1B8E;
	s24 =	sld [smem:$0x3FFE];
	[sflag:s23] =	ssyncadd.s32 $0xFFFFFFFF  }
0xa5: {  	s26 =	simm.s32 $execute0_lowered;
	[smem:$0x3FD2] =	sst s25  }
0xa6: {  	s5 =	sshll.u32 s26, $0x1;
	_ =	strace $0x80000046;
	[dreg:$0x1] =	wrdreg $0xFFFFFFFF  }
0xa7: {  	s28 =	simm.s32 $_size_execute0_lowered;
	s3 =	sadd.s32 s3, s5;
	[dreg:$0x0] =	wrdreg $0x0  }
0xa8: {  	s5 =	sshll.u32 s28, $0x1;
	[dreg:$0x2] =	wrdreg s3  }
0xa9: {  	[dreg:$0x3] =	wrdreg s5  }
0xaa: {  	[dreg:$0x4] =	wrdreg $0xC0  }
0xab: {  	_ =	task [dreg:s7], $0x5FFFF  }
0xac: {  	[dreg:$0x1] =	wrdreg $0xFFFFFFFF  }
0xad: {  	[dreg:$0x0] =	wrdreg $0x60  }
0xae: {  	[dreg:$0x2] =	wrdreg s24  }
0xaf: {  	[dreg:$0x3] =	wrdreg s2  }
0xb0: {  	[dreg:$0x4] =	wrdreg $0x9  }
0xb1: {  	_ =	task.clear_ibuf [dreg:s7], $0x5FFFF;
	_ =	strace $0x90000046  }
0xb2: {  	s29 =	simm.s32 $0x9;
	_ =	strace $0x80000048  }
0xb3: {  	_ =	swait.ge [sflag:s29], $0x1  }
0xb4: {  	[sflag:s29] =	ssyncadd.s32 $0xFFFFFFFF  }
0xb5: {  	_ =	strace $0x90000048  }
0xb6: {  	_ =	sfence  }
0xb7: {  	s30 =	sld [smem:$0x0];
	_ =	sdelay $0x2  }
0xb8: {  	s31 =	sshll.u32 s1, $0xD;
	s1 =	sshrl.u32 s1, $0x2  }
0xb9: {  	s3 =	sand.u32 $0x4000, s31;
	s1 =	sadd.s32 s1, s30  }
0xba: {  	s0 =	sor.u32 s3, s0;
	s1 =	sshll.u32 s1, $0x11  }
0xbb: {  	s0 =	sor.u32 s1, s0  }
0xbc: {  	s0 =	sadd.s32 $0x8F2B, s0  }
0xbd: {  	[sflag:s0] =	ssyncadd.remote.s32 $0x1  }
0xbe: {  	_ =	sfence.sel $0xFFFF  }
0xbf: {  	[dreg:$0x0] =	wrdreg $0xFFFFFFFF;
	(pc) =	sbr.abs _section_cstart, $3  }
0xc0: {  	[dreg:$0x1] =	wrdreg $0xFFFFFFFF  }
0xc1: {  	_ =	task.clear_ibuf [dreg:s7], $0x2FFFF;
	_ =	strace $0x9FFFFFFF  }
0xc2: {  	(tm) =	ssettm $0x7FFFFFFF  }
0xc3: {  	_ =	shalt  }
tec
execute0_lowered:
.L_overlay_start_1:
0x0: {  	(tag) =	ssettag $0x1  }
0x1: {  	s4 =	rddreg [dreg:$0x0]  }
0x2: {  	s5 =	rddreg [dreg:$0x1]  }
0x3: {  	s0 =	rddreg [dreg:$0x2];
	s3 =	srdreg.scid;
	s2 =	simm.s32 $0x0  }
0x4: {  	s1 =	stileid.u32;
	s10 =	simm.s32 $0x6400;
	s11 =	simm.s32 $0xA400  }
0x5: {  	s12 =	simm.s32 $0x400;
	s13 =	simm.s32 $0xE400;
	s14 =	simm.s32 $0x600  }
0x6: {  	s15 =	simm.s32 $0x12400;
	s16 =	simm.s32 $0x1;
	s17 =	simm.s32 $0x2  }
0x7: {  	s18 =	simm.s32 $0x5;
	s19 =	simm.s32 $0x6;
	s20 =	simm.s32 $0x7  }
0x8: {  	s21 =	simm.s32 $0x8;
	s22 =	simm.s32 $0x0;
	s6 =	sand.u32 $0x1, s3  }
0x9: {  	[smem:$0x7FF] =	sst s2;
	s29 =	sshll.u32 s1, $0xA;
	s3 =	sadd.s32 $0xF42E00, s4  }
0xa: {  	s31 =	sshll.u32 s1, $0xC;
	s7 =	sshll.u32 s6, $0x9;
	_ =	strace $0x80000047  }
.Ltmp0:
0xb: {  	s8 =	ssub.s32 $0x2, s6;
	s7 =	sor.u32 s7, s29;
	(pc) =	sbr.rel .LBB2_1-.Ltmp0, $4  }
0xc: {  	s6 =	sshll.u32 s6, $0xB;
	s9 =	sshrl.u32 s8, $0x1;
	s7 =	sshrl.u32 s7, $0x3  }
0xd: {  	s30 =	ssub.s32 s8, s9;
	s8 =	sadd.s32 s31, s5;
	s9 =	simm.s32 $0x9  }
0xe: {  	s4 =	sadd.s32 s7, s4;
	s5 =	smax.u32 s30, $0x1;
	s6 =	sadd.s32 s6, s8  }
0xf: {  	s7 =	simm.s32 $0x200;
	s8 =	simm.s32 $0x4000;
	s4 =	sadd.s32 $0xA00, s4  }
.LBB2_6:
0x10: {  	_ =	swait.ge [sflag:s17], $0x4000  }
0x11: {  	[sflag:s17] =	ssyncset.done $0x0  }
0x12: {  	s23 =	sadd.s32 $0x10000, s28;
	[sflag:s17] =	ssyncadd.s32 $0xFFFFC000  }
0x13: {  	[hbm4b:s23+s2] =	stream.linear.scatter [tilespmem:s11], [sflag:$0x6], $0x4000, $0x38;
	[tilespmem:$0x16400] =	vst v63  }
.LBB2_4:
0x14: {  	_ =	swait.ge [sflag:s18], $0x4000  }
0x15: {  	[sflag:s18] =	ssyncset.done $0x0  }
0x16: {  	[sflag:s18] =	ssyncadd.s32 $0xFFFFC000  }
0x17: {  	_ =	swait.ge [sflag:s19], $0x4000  }
0x18: {  	[sflag:s19] =	ssyncset.done $0x0  }
0x19: {  	s22 =	sadd.s32 $0x1, s22;
	[sflag:s19] =	ssyncadd.s32 $0xFFFFC000  }
0x1a: {  	p0 =	sne.s32 s22, s5;
	_ =	swait.ge [sflag:s20], $0x4000  }
.Ltmp1:
0x1b: {  	[sflag:s20] =	ssyncset.done $0x0;
	(pc) =	sbr.rel @!p0 .LBB2_5-.Ltmp1, $4  }
0x1c: {  	[sflag:s20] =	ssyncadd.s32 $0xFFFFC000  }
0x1d: {  	_ =	swait.ge [sflag:s21], $0x4000  }
0x1e: {  	[sflag:s21] =	ssyncset.done $0x0  }
0x1f: {  	[sflag:s21] =	ssyncadd.s32 $0xFFFFC000  }
.LBB2_1:
0x20: {  	[tilespmem:s2], [sflag:$0x9] =	stream.strided.gather [hbm4b:s4+s7], $0x6400, s8, s7, $0x38;
	[tilespmem:$0x16400] =	vst v63  }
0x21: {  	_ =	swait.ge [sflag:s9], $0x6400  }
0x22: {  	[sflag:s9] =	ssyncset.done $0x0  }
0x23: {  	[sflag:s9] =	ssyncadd.s32 $0xFFFF9C00  }
0x24: {  	[tilespmem:s10], [sflag:$0x1] =	stream.indirect.gather [hbm4b:s3+s7], $0x20, s2, s7, $0xb8;
	[tilespmem:$0x16400] =	vst v63  }
0x25: {  	_ = 	snop  }
0x26: {  	[tilespmem:s11], [sflag:$0x2] =	stream.indirect.gather [hbm4b:s3+s7], $0x20, s7, s7, $0xb8;
	[tilespmem:$0x16400] =	vst v63  }
0x27: {  	s23 =	simm.s32 $0xE00  }
0x28: {  	[tilespmem:s13], [sflag:$0x3] =	stream.indirect.gather [hbm4b:s3+s7], $0x20, s12, s7, $0xb8;
	[tilespmem:$0x16400] =	vst v63  }
0x29: {  	s24 =	simm.s32 $0x2;
	s25 =	simm.s32 $0x0;
	s26 =	simm.s32 $0x0  }
0x2a: {  	[tilespmem:s15], [sflag:$0x4] =	stream.indirect.gather [hbm4b:s3+s7], $0x20, s14, s7, $0xb8;
	[tilespmem:$0x16400] =	vst v63  }
.LBB2_2:
0x2b: {  	p0 =	seq.s32 s25, $0x300000  }
.Ltmp2:
0x2c: {  	_ = 	snop;
	(pc) =	sbr.rel @p0 .LBB2_6-.Ltmp2, $4  }
0x2d: {  	_ =	swait.ge [sflag:s16], $0x4000  }
0x2e: {  	[sflag:s16] =	ssyncset.done $0x0  }
0x2f: {  	s28 =	sadd.s32 s25, s6;
	[sflag:s16] =	ssyncadd.s32 $0xFFFFC000  }
0x30: {  	[hbm4b:s28+s2] =	stream.linear.scatter [tilespmem:s10], [sflag:$0x5], $0x4000, $0x38;
	[tilespmem:$0x16400] =	vst v63  }
0x31: {  	_ =	swait.ge [sflag:s18], $0x4000  }
0x32: {  	[sflag:s18] =	ssyncset.done $0x0  }
0x33: {  	s29 =	sadd.s32 $0xFFFFFA00, s23;
	[sflag:s18] =	ssyncadd.s32 $0xFFFFC000  }
0x34: {  	[tilespmem:s10], [sflag:$0x1] =	stream.indirect.gather [hbm4b:s3+s7], $0x20, s29, s7, $0xb8;
	[tilespmem:$0x16400] =	vst v63  }
0x35: {  	_ =	swait.ge [sflag:s17], $0x4000  }
0x36: {  	[sflag:s17] =	ssyncset.done $0x0  }
0x37: {  	s28 =	sadd.s32 $0x10000, s28;
	[sflag:s17] =	ssyncadd.s32 $0xFFFFC000  }
0x38: {  	[hbm4b:s28+s2] =	stream.linear.scatter [tilespmem:s11], [sflag:$0x6], $0x4000, $0x38;
	[tilespmem:$0x16400] =	vst v63  }
0x39: {  	_ =	swait.ge [sflag:s19], $0x4000  }
0x3a: {  	p0 =	sgt.u32 s24, $0x31;
	[sflag:s19] =	ssyncset.done $0x0  }
0x3b: {  	s31 =	sadd.s32 $0xFFFFFC00, s23;
	s28 =	simm.s32 @!p0 $0x3;
	[sflag:s19] =	ssyncadd.s32 $0xFFFFC000  }
0x3c: {  	[tilespmem:s11], [sflag:$0x2] =	stream.indirect.gather [hbm4b:s3+s7], $0x20, s31, s7, $0xb8;
	[tilespmem:$0x16400] =	vst v63  }
0x3d: {  	_ =	swait.ge @!p0 [sflag:s28], $0x4000  }
0x3e: {  	s30 =	simm.s32 @!p0 $0xE400;
	[sflag:s28] =	ssyncset.done @!p0 $0x0  }
0x3f: {  	p1 =	sgt.u32 @!p0 s26, $0xA;
	[sflag:s28] =	ssyncadd.s32 @!p0 $0xFFFFC000;
	s28 =	sadd.s32 @!p0 s25, s6  }
0x40: {  	p2 =	por !p1, p0;
	s29 =	simm.s32 @!p0 $0x0;
	s28 =	sadd.s32 @!p0 $0x20000, s28  }
0x41: {  	[hbm4b:s28+s29] =	stream.linear.scatter @!p0 [tilespmem:s30], [sflag:$0x7], $0x4000, $0x38;
	[tilespmem:$0x16400] =	vst v63  }
0x42: {  	s28 =	simm.s32 @!p2 $0x4  }
0x43: {  	_ =	swait.ge @!p2 [sflag:s28], $0x4000  }
0x44: {  	[sflag:s28] =	ssyncset.done @!p2 $0x0  }
0x45: {  	s29 =	simm.s32 @!p2 $0x0;
	[sflag:s28] =	ssyncadd.s32 @!p2 $0xFFFFC000;
	s28 =	sadd.s32 @!p2 s25, s6  }
0x46: {  	s30 =	simm.s32 @!p2 $0x12400;
	p0 =	por p1, p0;
	s28 =	sadd.s32 @!p2 $0x30000, s28  }
0x47: {  	[hbm4b:s28+s29] =	stream.linear.scatter @!p2 [tilespmem:s30], [sflag:$0x8], $0x4000, $0x38;
	[tilespmem:$0x16400] =	vst v63  }
0x48: {  	s28 =	simm.s32 @!p0 $0x7  }
0x49: {  	_ =	swait.ge @!p0 [sflag:s28], $0x4000  }
0x4a: {  	s29 =	simm.s32 @!p0 $0x200;
	[sflag:s28] =	ssyncset.done @!p0 $0x0  }
0x4b: {  	s30 =	simm.s32 @!p0 $0xE400;
	[sflag:s28] =	ssyncadd.s32 @!p0 $0xFFFFC000;
	s28 =	sadd.s32 @!p0 $0xFFFFFE00, s23  }
0x4c: {  	[tilespmem:s30], [sflag:$0x3] =	stream.indirect.gather @!p0 [hbm4b:s3+s29], $0x20, s28, s29, $0xb8;
	[tilespmem:$0x16400] =	vst v63  }
0x4d: {  	s28 =	simm.s32 @!p0 $0x4  }
0x4e: {  	_ =	swait.ge @!p0 [sflag:s28], $0x4000  }
0x4f: {  	[sflag:s28] =	ssyncset.done @!p0 $0x0  }
0x50: {  	[sflag:s28] =	ssyncadd.s32 @!p0 $0xFFFFC000;
	s28 =	sadd.s32 @!p0 s25, s6  }
0x51: {  	s31 =	simm.s32 @!p0 $0x12400;
	s30 =	simm.s32 @!p0 $0x0;
	s28 =	sadd.s32 @!p0 $0x30000, s28  }
0x52: {  	[hbm4b:s28+s30] =	stream.linear.scatter @!p0 [tilespmem:s31], [sflag:$0x8], $0x4000, $0x38;
	[tilespmem:$0x16400] =	vst v63  }
0x53: {  	s28 =	simm.s32 @!p0 $0x8  }
0x54: {  	_ =	swait.ge @!p0 [sflag:s28], $0x4000  }
0x55: {  	[sflag:s28] =	ssyncset.done @!p0 $0x0  }
0x56: {  	s25 =	sadd.s32 $0x40000, s25;
	[sflag:s28] =	ssyncadd.s32 @!p0 $0xFFFFC000  }
0x57: {  	[tilespmem:s31], [sflag:$0x4] =	stream.indirect.gather @!p0 [hbm4b:s3+s29], $0x20, s23, s29, $0xb8;
	[tilespmem:$0x16400] =	vst v63  }
0x58: {  	p0 =	sne.s32 s25, $0x340000  }
.Ltmp3:
0x59: {  	_ = 	snop;
	(pc) =	sbr.rel @p0 .LBB2_2-.Ltmp3, $4  }
.Ltmp4:
0x5a: {  	_ = 	snop;
	(pc) =	sbr.rel @!p0 .LBB2_4-.Ltmp4, $4  }
0x5b: {  	_ = 	snop  }
0x5c: {  	_ = 	snop  }
0x5d: {  	s24 =	sadd.s32 $0x4, s24;
	s26 =	sadd.s32 $0x1, s26;
	s23 =	sadd.s32 $0x800, s23  }
0x5e: {  	_ = 	snop  }
.LBB2_5:
0x5f: {  	_ =	sfence.sel $0x180000  }
0x60: {  	[bflag:$0x0] =	sbarrier.arrive $0xFFFF  }
0x61: {  	p0 =	sne.s32 s1, $0x0;
	_ =	strace $0x90000047  }
0x62: {  	s0 =	sadd.s32 @!p0 $0x100000, s0;
	[bflag:$0x2] =	sbarrier.arrive $0xFFFF  }
0x63: {  	[sflag:s0] =	ssyncadd.tile.s32 @!p0 $0x1;
	_ =	shalt  }
.Lfunc_end2:
_tile_overlayer_lowered:
.L_overlay_start_2:
0x64: {  	(tag) =	ssettag $0x2  }
0x65: {  	s0 =	rddreg [dreg:$0x0];
	s2 =	stileid.u32  }
0x66: {  	s1 =	rddreg [dreg:$0x1];
	p0 =	sne.s32 s2, $0x0  }
0x67: {  	s3 =	rddreg [dreg:$0x2];
	[bflag:$0x3] =	sbarrier.arrive $0xFFFF;
	s2 =	simm.s32 @!p0 $0x1C09  }
0x68: {  	[timem:s3], [sflag:s2] =	dma.local @!p0 [hbm:s0], s1  }
0x69: {  	s0 =	simm.s32 @!p0 $0x9  }
0x6a: {  	_ =	swait.ge @!p0 [sflag:s0], s1  }
0x6b: {  	s1 =	ssub.s32 @!p0 $0x0, s1;
	[sflag:s0] =	ssyncset.done @!p0 $0x0  }
0x6c: {  	[sflag:s0] =	ssyncadd.s32 @!p0 s1  }
0x6d: {  	[bflag:$0x3] =	sbarrier.arrive $0xFFFF  }
0x6e: {  	_ =	shalt  }

// kernel: sparse-core-data-format-call.cloned.1.call-start
scs
called_computation_lowered:
.L_overlay_start_0:
0x0: {  	s2 =	sld [smem:$0x3FD9]  }
0x1: {  	s3 =	sld [smem:$0x3FFE];
	_ =	sdelay $0x1  }
0x2: {  	s1 =	srdreg.scid  }
0x3: {  	s0 =	sand.u32 $0x1, s1  }
0x4: {  	s18 =	sshll.u32 s0, $0xA;
	s2 =	sadd.s32 s3, s2  }
0x5: {  	s2 =	sadd.s32 s2, s18  }
0x6: {  	[smem:$0x3FC6] =	sst s2  }
0x7: {  	_ = 	snop  }
0x8: {  	s2 =	sld [smem:$0x3FD0];
	(tm) =	ssettm $0x1  }
0x9: {  	s19 =	sld [smem:$0x3FFB];
	_ =	sdelay $0x3  }
0xa: {  	_ =	strace s19  }
0xb: {  	s3 =	sld [smem:$0x3FFC];
	_ =	sdelay $0x3  }
0xc: {  	_ =	strace s3  }
0xd: {  	s3 =	sld [smem:$0x3FFD];
	_ =	sdelay $0x3  }
0xe: {  	_ =	strace s3  }
0xf: {  	_ =	strace $0x8FFFFFFF  }
0x10: {  	s20 =	sld [smem:$0x3FDB];
	_ =	sdelay $0x1  }
0x11: {  	s4 =	simm.s32 $_scs_section_size  }
0x12: {  	s5 =	simm.s32 $_size__tile_overlayer_lowered;
	s6 =	simm.s32 $_tile_overlayer_lowered  }
0x13: {  	s23 =	simm.s32 $0x1BFF;
	s22 =	sshll.u32 s6, $0x1;
	s3 =	sadd.s32 s4, s20  }
0x14: {  	s7 =	simm.s32 $0x0;
	s21 =	sshll.u32 s5, $0x1;
	s5 =	sadd.s32 s22, s3  }
0x15: {  	[timem:s7], [sflag:s23] =	dma.local [hbm:s5], s21  }
0x16: {  	_ =	swait.ge [sflag:s23], s21  }
0x17: {  	s4 =	ssub.s32 $0x0, s21;
	[sflag:s23] =	ssyncset.done $0x0  }
0x18: {  	[sflag:s23] =	ssyncadd.s32 s4;
	_ =	sdelay $0x1  }
0x19: {  	s24 =	simm.s32 $0x1B8B  }
0x1a: {  	_ =	swait.ge [sflag:s24], $0x1  }
0x1b: {  	[sflag:s24] =	ssyncset.done $0x0  }
0x1c: {  	s26 =	simm.s32 $0x1B8E;
	s25 =	sld [smem:$0x3FFE];
	[sflag:s24] =	ssyncadd.s32 $0xFFFFFFFF  }
0x1d: {  	s27 =	simm.s32 $execute0_lowered;
	[smem:$0x3FD2] =	sst s26  }
0x1e: {  	s5 =	sshll.u32 s27, $0x1;
	_ =	strace $0x80000049;
	[dreg:$0x1] =	wrdreg $0xFFFFFFFF  }
0x1f: {  	s28 =	simm.s32 $_size_execute0_lowered;
	s3 =	sadd.s32 s3, s5;
	[dreg:$0x0] =	wrdreg $0x0  }
0x20: {  	s5 =	sshll.u32 s28, $0x1;
	[dreg:$0x2] =	wrdreg s3  }
0x21: {  	[dreg:$0x3] =	wrdreg s5  }
0x22: {  	[dreg:$0x4] =	wrdreg $0xC0  }
0x23: {  	_ =	task [dreg:s7], $0x5FFFF  }
0x24: {  	[dreg:$0x1] =	wrdreg $0xFFFFFFFF  }
0x25: {  	[dreg:$0x0] =	wrdreg $0x60  }
0x26: {  	[dreg:$0x2] =	wrdreg s25  }
0x27: {  	[dreg:$0x3] =	wrdreg s2  }
0x28: {  	[dreg:$0x4] =	wrdreg $0x9  }
0x29: {  	_ =	task.clear_ibuf [dreg:s7], $0x5FFFF;
	_ =	strace $0x90000049  }
0x2a: {  	s29 =	simm.s32 $0x9;
	_ =	strace $0x8000004B  }
0x2b: {  	_ =	swait.ge [sflag:s29], $0x1  }
0x2c: {  	[sflag:s29] =	ssyncadd.s32 $0xFFFFFFFF  }
0x2d: {  	_ =	strace $0x9000004B  }
0x2e: {  	_ =	sfence  }
0x2f: {  	s30 =	sld [smem:$0x0];
	_ =	sdelay $0x2  }
0x30: {  	s31 =	sshll.u32 s1, $0xD;
	s1 =	sshrl.u32 s1, $0x2  }
0x31: {  	s3 =	sand.u32 $0x4000, s31;
	s1 =	sadd.s32 s1, s30  }
0x32: {  	s0 =	sor.u32 s3, s0;
	s1 =	sshll.u32 s1, $0x11  }
0x33: {  	s0 =	sor.u32 s1, s0  }
0x34: {  	s0 =	sadd.s32 $0x8F2B, s0  }
0x35: {  	[sflag:s0] =	ssyncadd.remote.s32 $0x1  }
0x36: {  	_ =	sfence.sel $0xFFFF  }
0x37: {  	[dreg:$0x0] =	wrdreg $0xFFFFFFFF;
	(pc) =	sbr.abs _section_cstart, $3  }
0x38: {  	[dreg:$0x1] =	wrdreg $0xFFFFFFFF  }
0x39: {  	_ =	task.clear_ibuf [dreg:s7], $0x2FFFF;
	_ =	strace $0x9FFFFFFF  }
0x3a: {  	(tm) =	ssettm $0x7FFFFFFF  }
0x3b: {  	_ =	shalt  }
tec
execute0_lowered:
.L_overlay_start_1:
0x0: {  	(tag) =	ssettag $0x1  }
0x1: {  	s0 =	srdreg.scid  }
0x2: {  	s1 =	sshll.u32 s0, $0x4  }
0x3: {  	s0 =	stileid.u32;
	s1 =	sand.u32 $0x10, s1  }
0x4: {  	s7 =	rddreg [dreg:$0x0];
	s1 =	sor.u32 s0, s1  }
0x5: {  	s4 =	simm.s32 $0x1;
	s8 =	simm.s32 $0x2;
	s2 =	sshll.u32 s1, $0x7  }
0x6: {  	s13 =	simm.s32 $0x0;
	s9 =	simm.s32 $0x20000;
	s1 =	ssub.s32 $0x4000, s2  }
0x7: {  	s14 =	simm.s32 $0x0;
	s11 =	simm.s32 $0x0;
	s3 =	sand.u32 $0xF80, s1  }
0x8: {  	s12 =	simm.s32 $0x0;
	s5 =	sshrl.u32 s1, $0xC;
	p0 =	sne.s32 s3, $0x0  }
.Ltmp0:
0x9: {  	s1 =	rddreg [dreg:$0x2];
	s4 =	simm.s32 @!p0 $0x0;
	(pc) =	sbr.rel .LBB1_1-.Ltmp0, $4  }
0xa: {  	s6 =	sadd.s32 $0xA00, s7;
	s3 =	rddreg [dreg:$0x1];
	s5 =	sadd.s32 s4, s5  }
0xb: {  	_ =	strace $0x8000004A;
	s4 =	simm.s32 $0x1;
	s5 =	smul.u32 $0x19, s5  }
0xc: {  	s7 =	sadd.s32 $0x40A00, s7;
	s10 =	smov.u32 s2;
	[sflag:s4] =	ssyncpa.u1 $0x0  }
0xd: {  	p0 =	por $0x0, $0x0;
	[sflag:s8] =	ssyncpa.u1 $0x0;
	s8 =	sadd.s32 $0x1, s5  }
.LBB1_7:
0xe: {  	s15 =	sadd.s32 $0x1000, s10  }
0xf: {  	s13 =	sadd.s32 $0x2, s11;
	s17 =	smov.u32 s11;
	p2 =	sgt.s32 s15, $0x3FFF  }
0x10: {  	s17 =	smov.u32 @p2 s13  }
0x11: {  	s15 =	smov.u32 @p2 s2;
	p2 =	sgt.s32 s17, $0x31  }
0x12: {  	s17 =	simm.s32 @p2 $0x0;
	p2 =	sne.s32 s12, s8  }
.Ltmp1:
0x13: {  	p1 =	slt.u32 s12, $0x2;
	(pc) =	sbr.rel @!p2 .LBB1_8-.Ltmp1, $4  }
0x14: {  	s16 =	simm.s32 @!p1 $0x2  }
0x15: {  	s14 =	smov.u32 s11;
	p0 =	por !p0, !p0;
	_ =	swait.ge @!p1 [sflag:s16], $0x2000  }
0x16: {  	s13 =	smov.u32 s10;
	[sflag:s16] =	ssyncset.done @!p1 $0x0;
	s10 =	smov.u32 s15  }
0x17: {  	s12 =	sadd.s32 $0x1, s12;
	[sflag:s16] =	ssyncadd.s32 @!p1 $0xFFFFE000;
	s11 =	smov.u32 s17  }
.LBB1_1:
0x18: {  	p1 =	sge.u32 s12, s5  }
0x19: {  	s15 =	sxor.u32 @!p1 $0xFFFFFFFF, s12;
	s16 =	sshll.u32 @!p1 s11, $0x12  }
0x1a: {  	s17 =	sshll.u32 @!p1 s10, $0x4;
	s19 =	simm.s32 @!p1 $0x20;
	s20 =	simm.s32 @!p1 $0x80  }
0x1b: {  	s15 =	sshll.u32 @!p1 s15, $0xD;
	s17 =	sand.u32 @!p1 $0x3FFF0, s17;
	s18 =	sadd.s32 @!p1 s6, s16  }
0x1c: {  	s16 =	sadd.s32 @!p1 s16, s7;
	s15 =	sand.u32 @!p1 $0x2000, s15;
	s18 =	sadd.s32 @!p1 s17, s18  }
0x1d: {  	[tilespmem:s15], [sflag:$0x1] =	stream.strided.gather @!p1 [hbm4b:s18+s19], $0x1000, s20, s19, $0x38;
	[tilespmem:$0x8080] =	vst v63  }
0x1e: {  	s31 =	sadd.s32 $0xFFFFFFFF, s12;
	s16 =	sadd.s32 @!p1 s17, s16;
	s15 =	sor.u32 @!p1 $0x1000, s15  }
0x1f: {  	[tilespmem:s15], [sflag:$0x1] =	stream.strided.gather @!p1 [hbm4b:s16+s19], $0x1000, s20, s19, $0x38;
	[tilespmem:$0x8080] =	vst v63  }
0x20: {  	p1 =	sge.u32 s31, s5  }
.Ltmp2:
0x21: {  	_ = 	snop;
	(pc) =	sbr.rel @p1 .LBB1_7-.Ltmp2, $1  }
0x22: {  	_ =	sdelay $0x3  }
0x23: {  	s15 =	simm.s32 $0x1;
	s17 =	sand.u32 $0x1, s12  }
0x24: {  	_ =	swait.ge [sflag:s4], $0x2000;
	s15 =	simm.s32 @!p0 $0x0;
	s17 =	smul.u32 $0x8100, s17  }
0x25: {  	p2 =	por $0x1, $0x1;
	[sflag:s4] =	ssyncset.done $0x0;
	s16 =	smul.u32 $0x8100, s15  }
0x26: {  	s18 =	sshll.u32 s15, $0xF;
	[sflag:s4] =	ssyncadd.s32 $0xFFFFE000;
	s30 =	sshrl.u32 s17, $0x2  }
0x27: {  	s31 =	sshrl.u32 s18, $0x2;
	s18 =	simm.s32 $0x0;
	s16 =	sshrl.u32 s16, $0x2  }
0x28: {  	s15 =	sor.u32 $0x4000, s30;
	s17 =	sadd.s32 $0x10, s31;
	s16 =	sor.u32 $0x4000, s16  }
.LBB1_3:
0x29: {  	s19 =	sshll.u32 s18, $0xC  }
0x2a: {  	s19 =	sand.u32 $0x3FFFF000, s19  }
0x2b: {  	s20 =	sadd.s32 s19, s17  }
0x2c: {  	s31 =	smul.u32 $0x4080, s18;
	v1 =	vld [tilespmem:s20+$0x0]  }
0x2d: {  	v0 =	vld [tilespmem:s20+$0xFFFFFFF0]  }
0x2e: {  	s18 =	sshra.s32 s31, $0x2  }
0x2f: {  	s18 =	sadd.s32 s18, s16  }
0x30: {  	s21 =	sadd.s32 $0x0, s18  }
0x31: {  	p1 =	por p2, p2;
	s19 =	simm.s32 $0x4;
	s20 =	sadd.s32 $0x20, s20;
	[tilespmem:s21+$0x810 ss:$0x81] =	vst.msk $0xffff, v1  }
.LBB1_4:
0x32: {  	v1 =	vld [tilespmem:s20+$0x0];
	p2 =	sne.s32 s19, $0x1FC;
	[tilespmem:s21+$0x0 ss:$0x81] =	vst.msk $0xffff, v0;
	s21 =	smov.u32 s19;
	s19 =	sadd.s32 $0x4, s19  }
.Ltmp3:
0x33: {  	v0 =	vld [tilespmem:s20+$0xFFFFFFF0];
	(pc) =	sbr.rel @p2 .LBB1_4-.Ltmp3, $4  }
0x34: {  	_ = 	snop  }
0x35: {  	s21 =	sshra.s32 s21, $0x2  }
0x36: {  	s21 =	sadd.s32 s21, s18  }
0x37: {  	s20 =	sadd.s32 $0x20, s20;
	[tilespmem:s21+$0x810 ss:$0x81] =	vst.msk $0xffff, v1  }
.Ltmp4:
0x38: {  	(pc) =	sbr.rel @p1 .LBB1_3-.Ltmp4, $2  }
0x39: {  	_ =	sdelay $0x2  }
0x3a: {  	[tilespmem:s21+$0x0 ss:$0x81] =	vst.msk $0xffff, v0;
	s18 =	simm.s32 $0x1;
	p2 =	por $0x0, $0x0  }
0x3b: {  	s16 =	sshll.u32 s13, $0x3;
	s17 =	sand.u32 $0x78, s13;
	s14 =	sshll.u32 s14, $0x10  }
.Ltmp5:
0x3c: {  	s30 =	sand.u32 $0xF800, s13;
	s16 =	sand.u32 $0x3C00, s16;
	(pc) =	sbr.rel .LBB1_7-.Ltmp5, $4  }
0x3d: {  	s31 =	sand.u32 $0x7, s13;
	s14 =	sadd.s32 s3, s14;
	s16 =	sor.u32 s17, s16  }
0x3e: {  	s13 =	sshll.u32 s31, $0x12;
	s14 =	sadd.s32 s30, s14;
	s16 =	sshrl.u32 s16, $0x3  }
0x3f: {  	s13 =	sor.u32 $0x400, s13;
	s14 =	sadd.s32 s16, s14  }
0x40: {  	[hbm4b:s14+s13] =	stream.strided.scatter [tilespmem:s15], [sflag:$0x2], $0x2000, s9, s13, $0x20;
	[tilespmem:$0x8080] =	vst v63  }
.LBB1_8:
0x41: {  	_ =	sfence.sel $0x180000  }
0x42: {  	s2 =	simm.s32 $0x1;
	[bflag:$0x0] =	sbarrier.arrive $0xFFFF  }
0x43: {  	s31 =	simm.s32 $0x2;
	[sflag:s2] =	ssyncpa.u1 $0x1  }
0x44: {  	[sflag:s31] =	ssyncpa.u1 $0x1  }
0x45: {  	p0 =	sne.s32 s0, $0x0;
	_ =	strace $0x9000004A  }
0x46: {  	s0 =	sadd.s32 @!p0 $0x100000, s1;
	[bflag:$0x2] =	sbarrier.arrive $0xFFFF  }
0x47: {  	[sflag:s0] =	ssyncadd.tile.s32 @!p0 $0x1;
	_ =	shalt  }
.Lfunc_end1:
_tile_overlayer_lowered:
.L_overlay_start_2:
0x48: {  	(tag) =	ssettag $0x2  }
0x49: {  	s0 =	rddreg [dreg:$0x0];
	s2 =	stileid.u32  }
0x4a: {  	s1 =	rddreg [dreg:$0x1];
	p0 =	sne.s32 s2, $0x0  }
0x4b: {  	s3 =	rddreg [dreg:$0x2];
	[bflag:$0x3] =	sbarrier.arrive $0xFFFF;
	s2 =	simm.s32 @!p0 $0x1C01  }
0x4c: {  	[timem:s3], [sflag:s2] =	dma.local @!p0 [hbm:s0], s1  }
0x4d: {  	s0 =	simm.s32 @!p0 $0x1  }
0x4e: {  	_ =	swait.ge @!p0 [sflag:s0], s1  }
0x4f: {  	s1 =	ssub.s32 @!p0 $0x0, s1;
	[sflag:s0] =	ssyncset.done @!p0 $0x0  }
0x50: {  	[sflag:s0] =	ssyncadd.s32 @!p0 s1  }
0x51: {  	[bflag:$0x3] =	sbarrier.arrive $0xFFFF  }
0x52: {  	_ =	shalt  }

</sc_bundles>
